<compile_context>
chip_gen: v7x
topology: tpu7x:2x2x1
jax: 0.10.2.dev20260603
libtpu: 0.0.44.dev20260713+nightly
codegen_flags: <defaults>
</compile_context>

<pallas_src>
import functools

import jax
import jax.numpy as jnp
from jax import lax
from jax.experimental import pallas as pl
from jax.experimental.pallas import tpu as pltpu
from jax.experimental.pallas import tpu_sc as plsc

N = 10000
E = 320000
D = 128
H = 128
C = 10
G = 128
EPS = 1e-5

NC = 2
NS = 16
NW = NC * NS
NPAD = 10240
EW = E // NW
K = 80
STEPS = EW // K


def _scale_rows(rows, sbuf):
    @pl.loop(0, K // 16)
    def _(t):
        s16 = sbuf[pl.ds(t * 16, 16)]
        for l in range(16):
            sc = s16[l]
            for j in range(8):
                rows[t * 16 + l, pl.ds(j * 16, 16)] = (
                    rows[t * 16 + l, pl.ds(j * 16, 16)] * sc)


def _msg_body(scaled, *refs):
    if scaled:
        (h_hbm, row_hbm, col_hbm, ew_hbm, out_hbm, acc_sh,
         ridx_a, cidx_a, sbuf_a, ridx_b, cidx_b, sbuf_b, rows_a, rows_b,
         isem_a, isem_b, gsem_a, gsem_b, ssem_a, ssem_b) = refs
    else:
        (h_hbm, row_hbm, col_hbm, out_hbm, acc_sh,
         ridx_a, cidx_a, ridx_b, cidx_b, rows_a, rows_b,
         isem_a, isem_b, gsem_a, gsem_b, ssem_a, ssem_b) = refs
    cid = lax.axis_index("c")
    sid = lax.axis_index("s")
    wid = sid * NC + cid
    @pl.loop(0, K)
    def _(r):
        for j in range(8):
            rows_a[r, pl.ds(j * 16, 16)] = jnp.zeros((16,), jnp.float32)
    slab = NPAD // NS
    @pl.loop(0, slab // K)
    def _(t):
        pltpu.sync_copy(rows_a, acc_sh.at[pl.ds(sid * slab + t * K, K), :])
    plsc.subcore_barrier()

    def fetch_idx(base, ridx, cidx, sbuf, sem):
        ds = [pltpu.async_copy(row_hbm.at[pl.ds(base, K)], ridx, sem),
              pltpu.async_copy(col_hbm.at[pl.ds(base, K)], cidx, sem)]
        if scaled:
            ds.append(pltpu.async_copy(ew_hbm.at[pl.ds(base, K)], sbuf, sem))
        return ds

    def drain(ds):
        for d in ds:
            d.wait()

    base0 = wid * EW
    @pl.loop(0, STEPS // 2)
    def _(ip):
        base_a = base0 + ip * (2 * K)
        base_b = base_a + K
        ia = fetch_idx(base_a, ridx_a, cidx_a, sbuf_a if scaled else None,
                       isem_a)
        ib = fetch_idx(base_b, ridx_b, cidx_b, sbuf_b if scaled else None,
                       isem_b)
        drain(ia)
        ga = pltpu.async_copy(h_hbm.at[ridx_a], rows_a, gsem_a)
        drain(ib)
        gb = pltpu.async_copy(h_hbm.at[ridx_b], rows_b, gsem_b)
        ga.wait()
        if scaled:
            _scale_rows(rows_a, sbuf_a)
        sa = pltpu.async_copy(rows_a, acc_sh.at[cidx_a], ssem_a, add=True)
        gb.wait()
        if scaled:
            _scale_rows(rows_b, sbuf_b)
        sb = pltpu.async_copy(rows_b, acc_sh.at[cidx_b], ssem_b, add=True)
        sa.wait()
        sb.wait()
    if STEPS % 2:
        base_t = base0 + (STEPS - 1) * K
        drain(fetch_idx(base_t, ridx_a, cidx_a, sbuf_a if scaled else None,
                        isem_a))
        pltpu.async_copy(h_hbm.at[ridx_a], rows_a, gsem_a).wait()
        if scaled:
            _scale_rows(rows_a, sbuf_a)
        pltpu.sync_copy(rows_a, acc_sh.at[cidx_a], add=True)
    plsc.subcore_barrier()
    pltpu.sync_copy(acc_sh.at[pl.ds(sid * slab, slab), :],
                    out_hbm.at[cid, pl.ds(sid * slab, slab), :])


def _attn_body(u_hbm, v_hbm, row_hbm, col_hbm,
               ewc_hbm, ewo_hbm, deg_hbm,
               u_vmem, v_vmem, dc_vmem, do_vmem,
               ridx_a, cidx_a, ridx_b, cidx_b,
               wc_a, wo_a, wc_b, wo_b, isem_a, isem_b, osem):
    cid = lax.axis_index("c")
    sid = lax.axis_index("s")
    wid = sid * NC + cid
    pltpu.sync_copy(u_hbm, u_vmem)
    pltpu.sync_copy(v_hbm, v_vmem)
    @pl.loop(0, NPAD // 16)
    def _(t):
        dc_vmem[pl.ds(t * 16, 16)] = jnp.zeros((16,), jnp.float32)
        do_vmem[pl.ds(t * 16, 16)] = jnp.zeros((16,), jnp.float32)
    base0 = wid * EW

    def compute(ridx, cidx, wc_buf, wo_buf):
        @pl.loop(0, K // 16)
        def _(t):
            r16 = ridx[pl.ds(t * 16, 16)]
            c16 = cidx[pl.ds(t * 16, 16)]
            s = plsc.load_gather(u_vmem, [r16]) + plsc.load_gather(v_vmem, [c16])
            wc = 1.0 / (1.0 + jnp.exp(-s))
            wo = 1.0 - wc
            wc_buf[pl.ds(t * 16, 16)] = wc
            wo_buf[pl.ds(t * 16, 16)] = wo
            plsc.addupdate_scatter(dc_vmem, [r16], wc)
            plsc.addupdate_scatter(do_vmem, [r16], wo)

    @pl.loop(0, STEPS // 2)
    def _(ip):
        base_a = base0 + ip * (2 * K)
        base_b = base_a + K
        ia = [pltpu.async_copy(row_hbm.at[pl.ds(base_a, K)], ridx_a, isem_a),
              pltpu.async_copy(col_hbm.at[pl.ds(base_a, K)], cidx_a, isem_a)]
        ib = [pltpu.async_copy(row_hbm.at[pl.ds(base_b, K)], ridx_b, isem_b),
              pltpu.async_copy(col_hbm.at[pl.ds(base_b, K)], cidx_b, isem_b)]
        for d in ia:
            d.wait()
        compute(ridx_a, cidx_a, wc_a, wo_a)
        oa = [pltpu.async_copy(wc_a, ewc_hbm.at[pl.ds(base_a, K)], osem),
              pltpu.async_copy(wo_a, ewo_hbm.at[pl.ds(base_a, K)], osem)]
        for d in ib:
            d.wait()
        compute(ridx_b, cidx_b, wc_b, wo_b)
        ob = [pltpu.async_copy(wc_b, ewc_hbm.at[pl.ds(base_b, K)], osem),
              pltpu.async_copy(wo_b, ewo_hbm.at[pl.ds(base_b, K)], osem)]
        for d in oa + ob:
            d.wait()
    if STEPS % 2:
        base_t = base0 + (STEPS - 1) * K
        pltpu.sync_copy(row_hbm.at[pl.ds(base_t, K)], ridx_a)
        pltpu.sync_copy(col_hbm.at[pl.ds(base_t, K)], cidx_a)
        compute(ridx_a, cidx_a, wc_a, wo_a)
        pltpu.sync_copy(wc_a, ewc_hbm.at[pl.ds(base_t, K)])
        pltpu.sync_copy(wo_a, ewo_hbm.at[pl.ds(base_t, K)])
    pltpu.sync_copy(dc_vmem, deg_hbm.at[wid, 0])
    pltpu.sync_copy(do_vmem, deg_hbm.at[wid, 1])


@jax.jit
def _sc_attn(u_pad, v_pad, row, col):
    mesh = plsc.VectorSubcoreMesh(core_axis_name="c", subcore_axis_name="s")
    kern = pl.kernel(
        _attn_body,
        compiler_params=pltpu.CompilerParams(needs_layout_passes=False),
        out_type=(
            jax.ShapeDtypeStruct((E,), jnp.float32),
            jax.ShapeDtypeStruct((E,), jnp.float32),
            jax.ShapeDtypeStruct((NW, 2, NPAD), jnp.float32),
        ),
        mesh=mesh,
        scratch_types=[
            pltpu.VMEM((NPAD,), jnp.float32),
            pltpu.VMEM((NPAD,), jnp.float32),
            pltpu.VMEM((NPAD,), jnp.float32),
            pltpu.VMEM((NPAD,), jnp.float32),
            pltpu.VMEM((K,), jnp.int32),
            pltpu.VMEM((K,), jnp.int32),
            pltpu.VMEM((K,), jnp.int32),
            pltpu.VMEM((K,), jnp.int32),
            pltpu.VMEM((K,), jnp.float32),
            pltpu.VMEM((K,), jnp.float32),
            pltpu.VMEM((K,), jnp.float32),
            pltpu.VMEM((K,), jnp.float32),
        ] + [pltpu.SemaphoreType.DMA] * 3,
    )
    return kern(u_pad, v_pad, row, col)


@jax.jit
def _sc_msgpass(h_pad, row, col):
    mesh = plsc.VectorSubcoreMesh(core_axis_name="c", subcore_axis_name="s")
    kern = pl.kernel(
        functools.partial(_msg_body, False),
        out_type=jax.ShapeDtypeStruct((NC, NPAD, 128), jnp.float32),
        mesh=mesh,
        scratch_types=[
            pltpu.VMEM_SHARED((NPAD, 128), jnp.float32),
            pltpu.VMEM((K,), jnp.int32),
            pltpu.VMEM((K,), jnp.int32),
            pltpu.VMEM((K,), jnp.int32),
            pltpu.VMEM((K,), jnp.int32),
            pltpu.VMEM((K, 128), jnp.float32),
            pltpu.VMEM((K, 128), jnp.float32),
        ] + [pltpu.SemaphoreType.DMA] * 6,
    )
    return kern(h_pad, row, col)


@jax.jit
def _sc_msgpass_scaled(h_pad, row, col, ew):
    mesh = plsc.VectorSubcoreMesh(core_axis_name="c", subcore_axis_name="s")
    kern = pl.kernel(
        functools.partial(_msg_body, True),
        out_type=jax.ShapeDtypeStruct((NC, NPAD, 128), jnp.float32),
        mesh=mesh,
        scratch_types=[
            pltpu.VMEM_SHARED((NPAD, 128), jnp.float32),
            pltpu.VMEM((K,), jnp.int32),
            pltpu.VMEM((K,), jnp.int32),
            pltpu.VMEM((K,), jnp.float32),
            pltpu.VMEM((K,), jnp.int32),
            pltpu.VMEM((K,), jnp.int32),
            pltpu.VMEM((K,), jnp.float32),
            pltpu.VMEM((K, 128), jnp.float32),
            pltpu.VMEM((K, 128), jnp.float32),
        ] + [pltpu.SemaphoreType.DMA] * 6,
    )
    return kern(h_pad, row, col, ew)


def _bn(x, g, b):
    m = jnp.mean(x, axis=0)
    v = jnp.mean(x * x, axis=0) - m * m
    return (x - m) * lax.rsqrt(v + EPS) * g + b


def _log_softmax(z):
    zm = z - jnp.max(z, axis=-1, keepdims=True)
    return zm - jnp.log(jnp.sum(jnp.exp(zm), axis=-1, keepdims=True))


def _head(z, p, pre):
    z = _bn(z, p[pre + "1bn_g"], p[pre + "1bn_b"])
    z = jax.nn.relu(z @ p[pre + "1_W"] + p[pre + "1_b"])
    z = _bn(z, p[pre + "2bn_g"], p[pre + "2bn_b"])
    z = z @ p[pre + "2_W"] + p[pre + "2_b"]
    return _log_softmax(z)


def _pool_heads_body(xc_ref, xo_ref, batch_ref, *rest):
    (hp_refs, outc_ref, outo_ref, outco_ref) = (rest[:-3], rest[-3], rest[-2], rest[-1])
    names = _HEAD_PARAM_NAMES
    p = {k: r[...] for k, r in zip(names, hp_refs)}
    onehot = (batch_ref[0:1, :] == lax.broadcasted_iota(jnp.int32, (G, N), 0))
    onehot = onehot.astype(jnp.float32)
    pc = jnp.dot(onehot, xc_ref[...], preferred_element_type=jnp.float32)
    po = jnp.dot(onehot, xo_ref[...], preferred_element_type=jnp.float32)
    outc_ref[...] = _head(pc, p, "c")
    outo_ref[...] = _head(po, p, "o")
    outco_ref[...] = _head(pc + po, p, "co")


_HEAD_PARAM_NAMES = tuple(
    pre + suf
    for pre in ("c", "o", "co")
    for suf in ("1bn_g", "1bn_b", "1_W", "1_b", "2bn_g", "2bn_b", "2_W", "2_b")
)


def _pool_and_heads(xc, xo, batch, params):
    hp = [params[k] for k in _HEAD_PARAM_NAMES]
    out_shape = [jax.ShapeDtypeStruct((G, C), jnp.float32)] * 3
    outs = pl.pallas_call(
        _pool_heads_body,
        out_shape=out_shape,
    )(xc, xo, batch.reshape(1, N), *hp)
    return outs




def _tc_feat(x, g, b, W, wb):
    def body(x_ref, g_ref, b_ref, W_ref, wb_ref, o_ref):
        h = _bn(x_ref[...], g_ref[...], b_ref[...])
        o_ref[...] = jax.nn.relu(
            jnp.dot(h, W_ref[...], preferred_element_type=jnp.float32)
            + wb_ref[...])
    return pl.pallas_call(
        body, out_shape=jax.ShapeDtypeStruct((N, H), jnp.float32),
    )(x, g, b, W, wb)


def _tc_gin_dense(h, mp, W1, b1, g1, be1, W2, b2):
    def body(h_ref, mp_ref, W1_ref, b1_ref, g1_ref, be1_ref, W2_ref, b2_ref,
             o_ref):
        hs = h_ref[...] + mp_ref[0, :N, :] + mp_ref[1, :N, :]
        t = jnp.dot(hs, W1_ref[...], preferred_element_type=jnp.float32)
        t = jax.nn.relu(_bn(t + b1_ref[...], g1_ref[...], be1_ref[...]))
        o_ref[...] = jax.nn.relu(
            jnp.dot(t, W2_ref[...], preferred_element_type=jnp.float32)
            + b2_ref[...])
    return pl.pallas_call(
        body, out_shape=jax.ShapeDtypeStruct((N, H), jnp.float32),
    )(h, mp, W1, b1, g1, be1, W2, b2)


def _tc_attnprep(h, eaW1, eaW2, beta, naW, nab, bcg, bcb, bog, bob, ccW, ocW):
    def body(h_ref, eaW1_ref, eaW2_ref, beta_ref, naW_ref, nab_ref,
             bcg_ref, bcb_ref, bog_ref, bob_ref, ccW_ref, ocW_ref,
             u_ref, v_ref, gc_ref, go_ref):
        h = h_ref[...]
        pq = jnp.dot(h, eaW1_ref[...], preferred_element_type=jnp.float32)
        qq = jnp.dot(h, eaW2_ref[...], preferred_element_type=jnp.float32)
        u_ref[...] = pq[:, 0:1] - pq[:, 1:2] + beta_ref[0, 0]
        v_ref[...] = qq[:, 0:1] - qq[:, 1:2]
        nl = jnp.dot(h, naW_ref[...], preferred_element_type=jnp.float32) \
            + nab_ref[...]
        na0 = 1.0 / (1.0 + jnp.exp(nl[:, 1:2] - nl[:, 0:1]))
        xc = na0 * h
        xo = (1.0 - na0) * h
        gc_ref[...] = jnp.dot(_bn(xc, bcg_ref[...], bcb_ref[...]),
                              ccW_ref[...], preferred_element_type=jnp.float32)
        go_ref[...] = jnp.dot(_bn(xo, bog_ref[...], bob_ref[...]),
                              ocW_ref[...], preferred_element_type=jnp.float32)
    return pl.pallas_call(
        body, out_shape=(
            jax.ShapeDtypeStruct((N, 1), jnp.float32),
            jax.ShapeDtypeStruct((N, 1), jnp.float32),
            jax.ShapeDtypeStruct((N, H), jnp.float32),
            jax.ShapeDtypeStruct((N, H), jnp.float32),
        ),
    )(h, eaW1, eaW2, beta, naW, nab, bcg, bcb, bog, bob, ccW, ocW)


def _tc_disprep(degT, gc, go):
    def body(dt_ref, gc_ref, go_ref, gsc_ref, gso_ref, dc_ref, do_ref):
        dt = dt_ref[...]
        lane = lax.broadcasted_iota(jnp.int32, (NPAD, NW * 2), 1)
        evens = jnp.where(lane % 2 == 0, dt, 0.0)
        odds = jnp.where(lane % 2 == 1, dt, 0.0)
        deg_c = jnp.sum(evens, axis=1, keepdims=True)[:N]
        deg_o = jnp.sum(odds, axis=1, keepdims=True)[:N]
        dis_c = lax.rsqrt(deg_c + 1.0)
        dis_o = lax.rsqrt(deg_o + 1.0)
        dc_ref[...] = dis_c
        do_ref[...] = dis_o
        gsc_ref[...] = dis_c * gc_ref[...]
        gso_ref[...] = dis_o * go_ref[...]
    return pl.pallas_call(
        body, out_shape=(
            jax.ShapeDtypeStruct((N, H), jnp.float32),
            jax.ShapeDtypeStruct((N, H), jnp.float32),
            jax.ShapeDtypeStruct((N, 1), jnp.float32),
            jax.ShapeDtypeStruct((N, 1), jnp.float32),
        ),
    )(degT, gc, go)




def _tc_gcnpost(mp_c, mp_o, gsc, gso, dis_c, dis_o, ccb, ocb):
    def body(mpc_ref, mpo_ref, gsc_ref, gso_ref, dc_ref, do_ref,
             ccb_ref, ocb_ref, xc_ref, xo_ref):
        xc_ref[...] = jax.nn.relu(
            dc_ref[...] * (mpc_ref[0, :N, :] + mpc_ref[1, :N, :] + gsc_ref[...])
            + ccb_ref[...])
        xo_ref[...] = jax.nn.relu(
            do_ref[...] * (mpo_ref[0, :N, :] + mpo_ref[1, :N, :] + gso_ref[...])
            + ocb_ref[...])
    return pl.pallas_call(
        body, out_shape=(
            jax.ShapeDtypeStruct((N, H), jnp.float32),
            jax.ShapeDtypeStruct((N, H), jnp.float32),
        ),
    )(mp_c, mp_o, gsc, gso, dis_c, dis_o, ccb, ocb)


def _pad_nodes(h):
    return jnp.pad(h, ((0, NPAD - N), (0, 0)))


def _gin(h, row_p, col_p, p):
    mp = _sc_msgpass(_pad_nodes(h), row_p, col_p)
    return _tc_gin_dense(h, mp, p["W1"], p["b1"], p["g1"], p["be1"],
                         p["W2"], p["b2"])


def kernel(x, edge_index, batch, params):
    p = params
    row, col = edge_index[0], edge_index[1]
    h = _tc_feat(x, p["bn_feat_g"], p["bn_feat_b"],
                 p["conv_feat_W"], p["conv_feat_b"])
    for lp in p["gin"]:
        h = _gin(h, row, col, lp)
    beta = (p["ea_b"][0] - p["ea_b"][1]).reshape(1, 1)
    u, v, gc, go = _tc_attnprep(
        h, p["ea_W"][:H], p["ea_W"][H:], beta, p["na_W"], p["na_b"],
        p["bnc_g"], p["bnc_b"], p["bno_g"], p["bno_b"], p["cc_W"], p["oc_W"])
    ewc, ewo, degtab = _sc_attn(jnp.pad(u[:, 0], (0, NPAD - N)),
                                jnp.pad(v[:, 0], (0, NPAD - N)), row, col)
    degT = degtab.reshape(NW * 2, NPAD).T
    gsc, gso, dis_c, dis_o = _tc_disprep(degT, gc, go)
    mp_c = _sc_msgpass_scaled(_pad_nodes(gsc), row, col, ewc)
    mp_o = _sc_msgpass_scaled(_pad_nodes(gso), row, col, ewo)
    xc, xo = _tc_gcnpost(mp_c, mp_o, gsc, gso, dis_c, dis_o,
                         p["cc_b"], p["oc_b"])
    outc, outo, outco = _pool_and_heads(xc, xo, batch, p)
    return (outc, outo, outco)

# --- scband reference (transcript-rebuilt; emitter-appended) ---
"""Pipeline reference for scband-causal-gin-8340826488978 (READ-ONLY COPY).

The authoritative reference and input builder live on the scoring server;
editing this copy changes nothing except your own understanding.
"""

import jax, jax.numpy as jnp
import numpy as np

N = 10000
E = 320000
D = 128
H = 128
C = 10
G = 128
L = 3
EPS = 1e-5

def _bn(x, g, b):
    m = jnp.mean(x, axis=0)
    v = jnp.var(x, axis=0)
    return (x - m) * jax.lax.rsqrt(v + EPS) * g + b

def _lin(x, W, b):
    return x @ W + b

def _gcn(x, row, col, ew, W, b):
    n = x.shape[0]
    h = x @ W
    loop = jnp.arange(n, dtype=row.dtype)
    r = jnp.concatenate([row, loop])
    c = jnp.concatenate([col, loop])
    w = jnp.concatenate([ew, jnp.ones((n,), jnp.float32)])
    deg = jax.ops.segment_sum(w, r, num_segments=n)
    dis = jnp.where(deg > 0, jax.lax.rsqrt(jnp.maximum(deg, 1e-30)), 0.0)
    norm = dis[r] * w * dis[c]
    out = jax.ops.segment_sum(norm[:, None] * h[r], c, num_segments=n)
    return out + b

def _gin(x, row, col, p):
    n = x.shape[0]
    h = x + jax.ops.segment_sum(x[row], col, num_segments=n)
    h = jax.nn.relu(_bn(_lin(h, p['W1'], p['b1']), p['g1'], p['be1']))
    return jax.nn.relu(_lin(h, p['W2'], p['b2']))

def _head(z, p, pre):
    z = _bn(z, p[pre + '1bn_g'], p[pre + '1bn_b'])
    z = jax.nn.relu(_lin(z, p[pre + '1_W'], p[pre + '1_b']))
    z = _bn(z, p[pre + '2bn_g'], p[pre + '2bn_b'])
    z = _lin(z, p[pre + '2_W'], p[pre + '2_b'])
    return jax.nn.log_softmax(z, axis=-1)

def _forward(x, edge_index, batch, p):
    row, col = edge_index[0], edge_index[1]
    h = _bn(x, p['bn_feat_g'], p['bn_feat_b'])
    h = jax.nn.relu(_lin(h, p['conv_feat_W'], p['conv_feat_b']))
    for lp in p['gin']:
        h = _gin(h, row, col, lp)
    edge_rep = jnp.concatenate([h[row], h[col]], axis=-1)
    edge_att = jax.nn.softmax(_lin(edge_rep, p['ea_W'], p['ea_b']), axis=-1)
    ewc, ewo = edge_att[:, 0], edge_att[:, 1]
    node_att = jax.nn.softmax(_lin(h, p['na_W'], p['na_b']), axis=-1)
    xc = node_att[:, 0:1] * h
    xo = node_att[:, 1:2] * h
    xc = jax.nn.relu(_gcn(_bn(xc, p['bnc_g'], p['bnc_b']), row, col, ewc, p['cc_W'], p['cc_b']))
    xo = jax.nn.relu(_gcn(_bn(xo, p['bno_g'], p['bno_b']), row, col, ewo, p['oc_W'], p['oc_b']))
    xc = jax.ops.segment_sum(xc, batch, num_segments=G)
    xo = jax.ops.segment_sum(xo, batch, num_segments=G)
    xc_logis = _head(xc, p, 'c')
    xco_logis = _head(xc + xo, p, 'co')
    xo_logis = _head(xo, p, 'o')
    return (xc_logis, xo_logis, xco_logis)

def setup_inputs(seed: int = 0):
    key = jax.random.key(seed)
    ki = iter(jax.random.split(key, 64))
    x = jax.random.normal(next(ki), (N, D), jnp.float32)
    edge_index = jax.random.randint(next(ki), (2, E), 0, N, jnp.int32)
    batch = jnp.sort(jax.random.randint(next(ki), (N,), 0, G, jnp.int32))
    def W(i, o):
        return jax.random.normal(next(ki), (i, o), jnp.float32) * 0.05
    ones = jnp.ones((H,), jnp.float32)
    beta = jnp.full((H,), 1e-4, jnp.float32)
    z = lambda n: jnp.zeros((n,), jnp.float32)
    p = {}
    p['bn_feat_g'] = jnp.ones((D,), jnp.float32)
    p['bn_feat_b'] = jnp.full((D,), 1e-4, jnp.float32)
    p['conv_feat_W'] = W(D, H); p['conv_feat_b'] = z(H)
    p['gin'] = [{'W1': W(H, H), 'b1': z(H), 'g1': ones, 'be1': beta, 'W2': W(H, H), 'b2': z(H)} for _ in range(L)]
    p['ea_W'] = W(2 * H, 2); p['ea_b'] = z(2)
    p['na_W'] = W(H, 2); p['na_b'] = z(2)
    p['bnc_g'] = ones; p['bnc_b'] = beta
    p['bno_g'] = ones; p['bno_b'] = beta
    p['cc_W'] = W(H, H); p['cc_b'] = z(H)
    p['oc_W'] = W(H, H); p['oc_b'] = z(H)
    for pre in ('c', 'o', 'co'):
        p[pre + '1bn_g'] = ones; p[pre + '1bn_b'] = beta
        p[pre + '1_W'] = W(H, H); p[pre + '1_b'] = z(H)
        p[pre + '2bn_g'] = ones; p[pre + '2bn_b'] = beta
        p[pre + '2_W'] = W(H, C); p[pre + '2_b'] = z(C)
    return {"x": x, "edge_index": edge_index, "batch": batch, "params": p}

def reference(x, edge_index, batch, params):
    return _forward(x, edge_index, batch, params)

if __name__ == "__main__":
    import jax
    _d = setup_inputs()
    print(jax.jit(kernel)(*tuple(_d.values())))

</pallas_src>

<mosaic_0001>
#map = affine_map<(d0, d1) -> (0)>
#map1 = affine_map<(d0, d1) -> (0, 0, 0)>
module attributes {stable_mosaic.version = 14 : i64} {
  func.func @_attn_body(%arg0: i32, %arg1: i32, %arg2: memref<10240xf32, #tpu.memory_space<hbm>>, %arg3: memref<10240xf32, #tpu.memory_space<hbm>>, %arg4: memref<320000xi32, #tpu.memory_space<hbm>>, %arg5: memref<320000xi32, #tpu.memory_space<hbm>>, %arg6: memref<320000xf32, #tpu.memory_space<hbm>>, %arg7: memref<320000xf32, #tpu.memory_space<hbm>>, %arg8: memref<32x2x10240xf32, #tpu.memory_space<hbm>>, %arg9: memref<10240xf32, #tpu.memory_space<vmem>>, %arg10: memref<10240xf32, #tpu.memory_space<vmem>>, %arg11: memref<10240xf32, #tpu.memory_space<vmem>>, %arg12: memref<10240xf32, #tpu.memory_space<vmem>>, %arg13: memref<80xi32, #tpu.memory_space<vmem>>, %arg14: memref<80xi32, #tpu.memory_space<vmem>>, %arg15: memref<80xi32, #tpu.memory_space<vmem>>, %arg16: memref<80xi32, #tpu.memory_space<vmem>>, %arg17: memref<80xf32, #tpu.memory_space<vmem>>, %arg18: memref<80xf32, #tpu.memory_space<vmem>>, %arg19: memref<80xf32, #tpu.memory_space<vmem>>, %arg20: memref<80xf32, #tpu.memory_space<vmem>>, %arg21: memref<!tpu.dma_semaphore, #tpu.memory_space<semaphore_mem>>, %arg22: memref<!tpu.dma_semaphore, #tpu.memory_space<semaphore_mem>>, %arg23: memref<!tpu.dma_semaphore, #tpu.memory_space<semaphore_mem>>) attributes {dimension_semantics = [#tpu.dimension_semantics<core_parallel>, #tpu.dimension_semantics<subcore_parallel>], iteration_bounds = array<i64: 2, 16>, scalar_prefetch = 0 : i64, scratch_operands = 15 : i64, tpu.core_type = #tpu.core_type<sc_vector_subcore>, window_params = [{transform_indices = #map}, {transform_indices = #map}, {transform_indices = #map}, {transform_indices = #map}, {transform_indices = #map}, {transform_indices = #map}, {transform_indices = #map1}]} {
    %mul3A = arith.constant 2 : i32
    %mul3A_0 = arith.muli %arg1, %mul3A : i32
    %add3A = arith.addi %mul3A_0, %arg0 : i32
    "tpu.region"() ({
      %run_scoped3A_20 = tpu.sem_alloc : memref<!tpu.dma_semaphore, #tpu.memory_space<semaphore_mem>>
      tpu.enqueue_dma source(%arg2 : memref<10240xf32, #tpu.memory_space<hbm>>) target(%arg9 : memref<10240xf32, #tpu.memory_space<vmem>>) target_semaphore(%run_scoped3A_20 : memref<!tpu.dma_semaphore, #tpu.memory_space<semaphore_mem>>)
      tpu.wait_dma2 semaphore(%run_scoped3A_20 : memref<!tpu.dma_semaphore, #tpu.memory_space<semaphore_mem>>) src(%arg2 : memref<10240xf32, #tpu.memory_space<hbm>>) dst(%arg9 : memref<10240xf32, #tpu.memory_space<vmem>>)
      tpu.yield
    }) : () -> ()
    "tpu.region"() ({
      %run_scoped3A_20 = tpu.sem_alloc : memref<!tpu.dma_semaphore, #tpu.memory_space<semaphore_mem>>
      tpu.enqueue_dma source(%arg3 : memref<10240xf32, #tpu.memory_space<hbm>>) target(%arg10 : memref<10240xf32, #tpu.memory_space<vmem>>) target_semaphore(%run_scoped3A_20 : memref<!tpu.dma_semaphore, #tpu.memory_space<semaphore_mem>>)
      tpu.wait_dma2 semaphore(%run_scoped3A_20 : memref<!tpu.dma_semaphore, #tpu.memory_space<semaphore_mem>>) src(%arg3 : memref<10240xf32, #tpu.memory_space<hbm>>) dst(%arg10 : memref<10240xf32, #tpu.memory_space<vmem>>)
      tpu.yield
    }) : () -> ()
    %scan3A = arith.constant 0 : i32
    %scan3A_1 = arith.constant 640 : i32
    %scan3A_2 = arith.addi %scan3A, %scan3A_1 : i32
    %scan3A_3 = arith.constant 1 : i32
    scf.for %scan3A_20 = %scan3A to %scan3A_2 step %scan3A_3  : i32 {
      %mul3A_21 = arith.constant 1 : i32
      %mul3A_22 = arith.muli %scan3A_20, %mul3A_21 : i32
      %add3A_23 = arith.constant 0 : i32
      %add3A_24 = arith.addi %add3A_23, %mul3A_22 : i32
      %broadcast_in_dim3A = arith.constant 0.000000e+00 : f32
      %broadcast_in_dim3A_25 = vector.broadcast %broadcast_in_dim3A : f32 to vector<16xf32>
      %mul3A_26 = arith.constant 16 : i32
      %mul3A_27 = arith.muli %add3A_24, %mul3A_26 : i32
      %swap3A = arith.index_cast %mul3A_27 : i32 to index
      %swap3A_28 = tpu.vector_load %arg11[%swap3A] {strides = array<i32>} : memref<10240xf32, #tpu.memory_space<vmem>>, vector<16xf32>,
      tpu.vector_store %arg11[%swap3A], %broadcast_in_dim3A_25 {strides = array<i32>} : memref<10240xf32, #tpu.memory_space<vmem>>, vector<16xf32>,
      %broadcast_in_dim3A_29 = arith.constant 0.000000e+00 : f32
      %broadcast_in_dim3A_30 = vector.broadcast %broadcast_in_dim3A_29 : f32 to vector<16xf32>
      %mul3A_31 = arith.constant 16 : i32
      %mul3A_32 = arith.muli %add3A_24, %mul3A_31 : i32
      %swap3A_33 = arith.index_cast %mul3A_32 : i32 to index
      %swap3A_34 = tpu.vector_load %arg12[%swap3A_33] {strides = array<i32>} : memref<10240xf32, #tpu.memory_space<vmem>>, vector<16xf32>,
      tpu.vector_store %arg12[%swap3A_33], %broadcast_in_dim3A_30 {strides = array<i32>} : memref<10240xf32, #tpu.memory_space<vmem>>, vector<16xf32>,
    }
    %scan3A_4 = arith.constant 640 : i32
    %mul3A_5 = arith.constant 10000 : i32
    %mul3A_6 = arith.muli %add3A, %mul3A_5 : i32
    %scan3A_7 = arith.constant 0 : i32
    %scan3A_8 = arith.constant 62 : i32
    %scan3A_9 = arith.addi %scan3A_7, %scan3A_8 : i32
    %scan3A_10 = arith.constant 1 : i32
    scf.for %scan3A_20 = %scan3A_7 to %scan3A_9 step %scan3A_10  : i32 {
      %mul3A_21 = arith.constant 1 : i32
      %mul3A_22 = arith.muli %scan3A_20, %mul3A_21 : i32
      %add3A_23 = arith.constant 0 : i32
      %add3A_24 = arith.addi %add3A_23, %mul3A_22 : i32
      %mul3A_25 = arith.constant 160 : i32
      %mul3A_26 = arith.muli %add3A_24, %mul3A_25 : i32
      %add3A_27 = arith.addi %mul3A_6, %mul3A_26 : i32
      %add3A_28 = arith.constant 80 : i32
      %add3A_29 = arith.addi %add3A_27, %add3A_28 : i32
      %dma_start3A = tpu.memref_slice %arg4[%add3A_27] : memref<320000xi32, #tpu.memory_space<hbm>> -> memref<80xi32, #tpu.memory_space<hbm>>
      %dma_start3A_30 = tpu.memref_slice %arg4[%add3A_27] : memref<320000xi32, #tpu.memory_space<hbm>> -> memref<80xi32, #tpu.memory_space<hbm>>
      tpu.enqueue_dma source(%dma_start3A_30 : memref<80xi32, #tpu.memory_space<hbm>>) target(%arg13 : memref<80xi32, #tpu.memory_space<vmem>>) target_semaphore(%arg21 : memref<!tpu.dma_semaphore, #tpu.memory_space<semaphore_mem>>)
      %dma_start3A_31 = tpu.memref_slice %arg5[%add3A_27] : memref<320000xi32, #tpu.memory_space<hbm>> -> memref<80xi32, #tpu.memory_space<hbm>>
      %dma_start3A_32 = tpu.memref_slice %arg5[%add3A_27] : memref<320000xi32, #tpu.memory_space<hbm>> -> memref<80xi32, #tpu.memory_space<hbm>>
      tpu.enqueue_dma source(%dma_start3A_32 : memref<80xi32, #tpu.memory_space<hbm>>) target(%arg14 : memref<80xi32, #tpu.memory_space<vmem>>) target_semaphore(%arg21 : memref<!tpu.dma_semaphore, #tpu.memory_space<semaphore_mem>>)
      %dma_start3A_33 = tpu.memref_slice %arg4[%add3A_29] : memref<320000xi32, #tpu.memory_space<hbm>> -> memref<80xi32, #tpu.memory_space<hbm>>
      %dma_start3A_34 = tpu.memref_slice %arg4[%add3A_29] : memref<320000xi32, #tpu.memory_space<hbm>> -> memref<80xi32, #tpu.memory_space<hbm>>
      tpu.enqueue_dma source(%dma_start3A_34 : memref<80xi32, #tpu.memory_space<hbm>>) target(%arg15 : memref<80xi32, #tpu.memory_space<vmem>>) target_semaphore(%arg22 : memref<!tpu.dma_semaphore, #tpu.memory_space<semaphore_mem>>)
      %dma_start3A_35 = tpu.memref_slice %arg5[%add3A_29] : memref<320000xi32, #tpu.memory_space<hbm>> -> memref<80xi32, #tpu.memory_space<hbm>>
      %dma_start3A_36 = tpu.memref_slice %arg5[%add3A_29] : memref<320000xi32, #tpu.memory_space<hbm>> -> memref<80xi32, #tpu.memory_space<hbm>>
      tpu.enqueue_dma source(%dma_start3A_36 : memref<80xi32, #tpu.memory_space<hbm>>) target(%arg16 : memref<80xi32, #tpu.memory_space<vmem>>) target_semaphore(%arg22 : memref<!tpu.dma_semaphore, #tpu.memory_space<semaphore_mem>>)
      %dma_wait3A = tpu.memref_slice %arg4[%add3A_27] : memref<320000xi32, #tpu.memory_space<hbm>> -> memref<80xi32, #tpu.memory_space<hbm>>
      %dma_wait3A_37 = tpu.memref_slice %arg4[%add3A_27] : memref<320000xi32, #tpu.memory_space<hbm>> -> memref<80xi32, #tpu.memory_space<hbm>>
      tpu.wait_dma2 semaphore(%arg21 : memref<!tpu.dma_semaphore, #tpu.memory_space<semaphore_mem>>) src(%dma_wait3A_37 : memref<80xi32, #tpu.memory_space<hbm>>) dst(%arg13 : memref<80xi32, #tpu.memory_space<vmem>>)
      %dma_wait3A_38 = tpu.memref_slice %arg5[%add3A_27] : memref<320000xi32, #tpu.memory_space<hbm>> -> memref<80xi32, #tpu.memory_space<hbm>>
      %dma_wait3A_39 = tpu.memref_slice %arg5[%add3A_27] : memref<320000xi32, #tpu.memory_space<hbm>> -> memref<80xi32, #tpu.memory_space<hbm>>
      tpu.wait_dma2 semaphore(%arg21 : memref<!tpu.dma_semaphore, #tpu.memory_space<semaphore_mem>>) src(%dma_wait3A_39 : memref<80xi32, #tpu.memory_space<hbm>>) dst(%arg14 : memref<80xi32, #tpu.memory_space<vmem>>)
      %scan3A_40 = arith.constant 0 : i32
      %scan3A_41 = arith.constant 5 : i32
      %scan3A_42 = arith.addi %scan3A_40, %scan3A_41 : i32
      %scan3A_43 = arith.constant 1 : i32
      scf.for %scan3A_70 = %scan3A_40 to %scan3A_42 step %scan3A_43  : i32 {
        %mul3A_71 = arith.constant 1 : i32
        %mul3A_72 = arith.muli %scan3A_70, %mul3A_71 : i32
        %add3A_73 = arith.constant 0 : i32
        %add3A_74 = arith.addi %add3A_73, %mul3A_72 : i32
        %mul3A_75 = arith.constant 16 : i32
        %mul3A_76 = arith.muli %add3A_74, %mul3A_75 : i32
        %get3A = arith.index_cast %mul3A_76 : i32 to index
        %get3A_77 = tpu.vector_load %arg13[%get3A] {strides = array<i32>} : memref<80xi32, #tpu.memory_space<vmem>>, vector<16xi32>,
        %mul3A_78 = arith.constant 16 : i32
        %mul3A_79 = arith.muli %add3A_74, %mul3A_78 : i32
        %get3A_80 = arith.index_cast %mul3A_79 : i32 to index
        %get3A_81 = tpu.vector_load %arg14[%get3A_80] {strides = array<i32>} : memref<80xi32, #tpu.memory_space<vmem>>, vector<16xi32>,
        %gather3A = tpu.vector_load_idx %arg9[%get3A_77] : memref<10240xf32, #tpu.memory_space<vmem>>[vector<16xi32>], vector<16xf32>,
        %gather3A_82 = tpu.vector_load_idx %arg10[%get3A_81] : memref<10240xf32, #tpu.memory_space<vmem>>[vector<16xi32>], vector<16xf32>,
        %add3A_83 = arith.addf %gather3A, %gather3A_82 : vector<16xf32>
        %neg3A = arith.constant 0.000000e+00 : f32
        %neg3A_84 = vector.broadcast %neg3A : f32 to vector<16xf32>
        %neg3A_85 = arith.subf %neg3A_84, %add3A_83 : vector<16xf32>
        %exp3A = math.exp %neg3A_85 : vector<16xf32>
        %add3A_86 = arith.constant 1.000000e+00 : f32
        %add3A_87 = vector.broadcast %add3A_86 : f32 to vector<16xf32>
        %add3A_88 = arith.addf %add3A_87, %exp3A : vector<16xf32>
        %div3A = arith.constant 1.000000e+00 : f32
        %div3A_89 = vector.broadcast %div3A : f32 to vector<16xf32>
        %div3A_90 = arith.divf %div3A_89, %add3A_88 : vector<16xf32>
        %sub3A = arith.constant 1.000000e+00 : f32
        %sub3A_91 = vector.broadcast %sub3A : f32 to vector<16xf32>
        %sub3A_92 = arith.subf %sub3A_91, %div3A_90 : vector<16xf32>
        %mul3A_93 = arith.constant 16 : i32
        %mul3A_94 = arith.muli %add3A_74, %mul3A_93 : i32
        %swap3A = arith.index_cast %mul3A_94 : i32 to index
        %swap3A_95 = tpu.vector_load %arg17[%swap3A] {strides = array<i32>} : memref<80xf32, #tpu.memory_space<vmem>>, vector<16xf32>,
        tpu.vector_store %arg17[%swap3A], %div3A_90 {strides = array<i32>} : memref<80xf32, #tpu.memory_space<vmem>>, vector<16xf32>,
        %mul3A_96 = arith.constant 16 : i32
        %mul3A_97 = arith.muli %add3A_74, %mul3A_96 : i32
        %swap3A_98 = arith.index_cast %mul3A_97 : i32 to index
        %swap3A_99 = tpu.vector_load %arg18[%swap3A_98] {strides = array<i32>} : memref<80xf32, #tpu.memory_space<vmem>>, vector<16xf32>,
        tpu.vector_store %arg18[%swap3A_98], %sub3A_92 {strides = array<i32>} : memref<80xf32, #tpu.memory_space<vmem>>, vector<16xf32>,
        tpu.vector_store_idx %arg11[%get3A_77], %div3A_90 {add = true} : memref<10240xf32, #tpu.memory_space<vmem>>[vector<16xi32>], vector<16xf32>,
        tpu.vector_store_idx %arg12[%get3A_77], %sub3A_92 {add = true} : memref<10240xf32, #tpu.memory_space<vmem>>[vector<16xi32>], vector<16xf32>,
      }
      %scan3A_44 = arith.constant 5 : i32
      %dma_start3A_45 = tpu.memref_slice %arg6[%add3A_27] : memref<320000xf32, #tpu.memory_space<hbm>> -> memref<80xf32, #tpu.memory_space<hbm>>
      %dma_start3A_46 = tpu.memref_slice %arg6[%add3A_27] : memref<320000xf32, #tpu.memory_space<hbm>> -> memref<80xf32, #tpu.memory_space<hbm>>
      tpu.enqueue_dma source(%arg17 : memref<80xf32, #tpu.memory_space<vmem>>) target(%dma_start3A_46 : memref<80xf32, #tpu.memory_space<hbm>>) target_semaphore(%arg23 : memref<!tpu.dma_semaphore, #tpu.memory_space<semaphore_mem>>)
      %dma_start3A_47 = tpu.memref_slice %arg7[%add3A_27] : memref<320000xf32, #tpu.memory_space<hbm>> -> memref<80xf32, #tpu.memory_space<hbm>>
      %dma_start3A_48 = tpu.memref_slice %arg7[%add3A_27] : memref<320000xf32, #tpu.memory_space<hbm>> -> memref<80xf32, #tpu.memory_space<hbm>>
      tpu.enqueue_dma source(%arg18 : memref<80xf32, #tpu.memory_space<vmem>>) target(%dma_start3A_48 : memref<80xf32, #tpu.memory_space<hbm>>) target_semaphore(%arg23 : memref<!tpu.dma_semaphore, #tpu.memory_space<semaphore_mem>>)
      %dma_wait3A_49 = tpu.memref_slice %arg4[%add3A_29] : memref<320000xi32, #tpu.memory_space<hbm>> -> memref<80xi32, #tpu.memory_space<hbm>>
      %dma_wait3A_50 = tpu.memref_slice %arg4[%add3A_29] : memref<320000xi32, #tpu.memory_space<hbm>> -> memref<80xi32, #tpu.memory_space<hbm>>
      tpu.wait_dma2 semaphore(%arg22 : memref<!tpu.dma_semaphore, #tpu.memory_space<semaphore_mem>>) src(%dma_wait3A_50 : memref<80xi32, #tpu.memory_space<hbm>>) dst(%arg15 : memref<80xi32, #tpu.memory_space<vmem>>)
      %dma_wait3A_51 = tpu.memref_slice %arg5[%add3A_29] : memref<320000xi32, #tpu.memory_space<hbm>> -> memref<80xi32, #tpu.memory_space<hbm>>
      %dma_wait3A_52 = tpu.memref_slice %arg5[%add3A_29] : memref<320000xi32, #tpu.memory_space<hbm>> -> memref<80xi32, #tpu.memory_space<hbm>>
      tpu.wait_dma2 semaphore(%arg22 : memref<!tpu.dma_semaphore, #tpu.memory_space<semaphore_mem>>) src(%dma_wait3A_52 : memref<80xi32, #tpu.memory_space<hbm>>) dst(%arg16 : memref<80xi32, #tpu.memory_space<vmem>>)
      %scan3A_53 = arith.constant 0 : i32
      %scan3A_54 = arith.constant 5 : i32
      %scan3A_55 = arith.addi %scan3A_53, %scan3A_54 : i32
      %scan3A_56 = arith.constant 1 : i32
      scf.for %scan3A_70 = %scan3A_53 to %scan3A_55 step %scan3A_56  : i32 {
        %mul3A_71 = arith.constant 1 : i32
        %mul3A_72 = arith.muli %scan3A_70, %mul3A_71 : i32
        %add3A_73 = arith.constant 0 : i32
        %add3A_74 = arith.addi %add3A_73, %mul3A_72 : i32
        %mul3A_75 = arith.constant 16 : i32
        %mul3A_76 = arith.muli %add3A_74, %mul3A_75 : i32
        %get3A = arith.index_cast %mul3A_76 : i32 to index
        %get3A_77 = tpu.vector_load %arg15[%get3A] {strides = array<i32>} : memref<80xi32, #tpu.memory_space<vmem>>, vector<16xi32>,
        %mul3A_78 = arith.constant 16 : i32
        %mul3A_79 = arith.muli %add3A_74, %mul3A_78 : i32
        %get3A_80 = arith.index_cast %mul3A_79 : i32 to index
        %get3A_81 = tpu.vector_load %arg16[%get3A_80] {strides = array<i32>} : memref<80xi32, #tpu.memory_space<vmem>>, vector<16xi32>,
        %gather3A = tpu.vector_load_idx %arg9[%get3A_77] : memref<10240xf32, #tpu.memory_space<vmem>>[vector<16xi32>], vector<16xf32>,
        %gather3A_82 = tpu.vector_load_idx %arg10[%get3A_81] : memref<10240xf32, #tpu.memory_space<vmem>>[vector<16xi32>], vector<16xf32>,
        %add3A_83 = arith.addf %gather3A, %gather3A_82 : vector<16xf32>
        %neg3A = arith.constant 0.000000e+00 : f32
        %neg3A_84 = vector.broadcast %neg3A : f32 to vector<16xf32>
        %neg3A_85 = arith.subf %neg3A_84, %add3A_83 : vector<16xf32>
        %exp3A = math.exp %neg3A_85 : vector<16xf32>
        %add3A_86 = arith.constant 1.000000e+00 : f32
        %add3A_87 = vector.broadcast %add3A_86 : f32 to vector<16xf32>
        %add3A_88 = arith.addf %add3A_87, %exp3A : vector<16xf32>
        %div3A = arith.constant 1.000000e+00 : f32
        %div3A_89 = vector.broadcast %div3A : f32 to vector<16xf32>
        %div3A_90 = arith.divf %div3A_89, %add3A_88 : vector<16xf32>
        %sub3A = arith.constant 1.000000e+00 : f32
        %sub3A_91 = vector.broadcast %sub3A : f32 to vector<16xf32>
        %sub3A_92 = arith.subf %sub3A_91, %div3A_90 : vector<16xf32>
        %mul3A_93 = arith.constant 16 : i32
        %mul3A_94 = arith.muli %add3A_74, %mul3A_93 : i32
        %swap3A = arith.index_cast %mul3A_94 : i32 to index
        %swap3A_95 = tpu.vector_load %arg19[%swap3A] {strides = array<i32>} : memref<80xf32, #tpu.memory_space<vmem>>, vector<16xf32>,
        tpu.vector_store %arg19[%swap3A], %div3A_90 {strides = array<i32>} : memref<80xf32, #tpu.memory_space<vmem>>, vector<16xf32>,
        %mul3A_96 = arith.constant 16 : i32
        %mul3A_97 = arith.muli %add3A_74, %mul3A_96 : i32
        %swap3A_98 = arith.index_cast %mul3A_97 : i32 to index
        %swap3A_99 = tpu.vector_load %arg20[%swap3A_98] {strides = array<i32>} : memref<80xf32, #tpu.memory_space<vmem>>, vector<16xf32>,
        tpu.vector_store %arg20[%swap3A_98], %sub3A_92 {strides = array<i32>} : memref<80xf32, #tpu.memory_space<vmem>>, vector<16xf32>,
        tpu.vector_store_idx %arg11[%get3A_77], %div3A_90 {add = true} : memref<10240xf32, #tpu.memory_space<vmem>>[vector<16xi32>], vector<16xf32>,
        tpu.vector_store_idx %arg12[%get3A_77], %sub3A_92 {add = true} : memref<10240xf32, #tpu.memory_space<vmem>>[vector<16xi32>], vector<16xf32>,
      }
      %scan3A_57 = arith.constant 5 : i32
      %dma_start3A_58 = tpu.memref_slice %arg6[%add3A_29] : memref<320000xf32, #tpu.memory_space<hbm>> -> memref<80xf32, #tpu.memory_space<hbm>>
      %dma_start3A_59 = tpu.memref_slice %arg6[%add3A_29] : memref<320000xf32, #tpu.memory_space<hbm>> -> memref<80xf32, #tpu.memory_space<hbm>>
      tpu.enqueue_dma source(%arg19 : memref<80xf32, #tpu.memory_space<vmem>>) target(%dma_start3A_59 : memref<80xf32, #tpu.memory_space<hbm>>) target_semaphore(%arg23 : memref<!tpu.dma_semaphore, #tpu.memory_space<semaphore_mem>>)
      %dma_start3A_60 = tpu.memref_slice %arg7[%add3A_29] : memref<320000xf32, #tpu.memory_space<hbm>> -> memref<80xf32, #tpu.memory_space<hbm>>
      %dma_start3A_61 = tpu.memref_slice %arg7[%add3A_29] : memref<320000xf32, #tpu.memory_space<hbm>> -> memref<80xf32, #tpu.memory_space<hbm>>
      tpu.enqueue_dma source(%arg20 : memref<80xf32, #tpu.memory_space<vmem>>) target(%dma_start3A_61 : memref<80xf32, #tpu.memory_space<hbm>>) target_semaphore(%arg23 : memref<!tpu.dma_semaphore, #tpu.memory_space<semaphore_mem>>)
      %dma_wait3A_62 = tpu.memref_slice %arg6[%add3A_27] : memref<320000xf32, #tpu.memory_space<hbm>> -> memref<80xf32, #tpu.memory_space<hbm>>
      %dma_wait3A_63 = tpu.memref_slice %arg6[%add3A_27] : memref<320000xf32, #tpu.memory_space<hbm>> -> memref<80xf32, #tpu.memory_space<hbm>>
      tpu.wait_dma2 semaphore(%arg23 : memref<!tpu.dma_semaphore, #tpu.memory_space<semaphore_mem>>) src(%arg17 : memref<80xf32, #tpu.memory_space<vmem>>) dst(%dma_wait3A_63 : memref<80xf32, #tpu.memory_space<hbm>>)
      %dma_wait3A_64 = tpu.memref_slice %arg7[%add3A_27] : memref<320000xf32, #tpu.memory_space<hbm>> -> memref<80xf32, #tpu.memory_space<hbm>>
      %dma_wait3A_65 = tpu.memref_slice %arg7[%add3A_27] : memref<320000xf32, #tpu.memory_space<hbm>> -> memref<80xf32, #tpu.memory_space<hbm>>
      tpu.wait_dma2 semaphore(%arg23 : memref<!tpu.dma_semaphore, #tpu.memory_space<semaphore_mem>>) src(%arg18 : memref<80xf32, #tpu.memory_space<vmem>>) dst(%dma_wait3A_65 : memref<80xf32, #tpu.memory_space<hbm>>)
      %dma_wait3A_66 = tpu.memref_slice %arg6[%add3A_29] : memref<320000xf32, #tpu.memory_space<hbm>> -> memref<80xf32, #tpu.memory_space<hbm>>
      %dma_wait3A_67 = tpu.memref_slice %arg6[%add3A_29] : memref<320000xf32, #tpu.memory_space<hbm>> -> memref<80xf32, #tpu.memory_space<hbm>>
      tpu.wait_dma2 semaphore(%arg23 : memref<!tpu.dma_semaphore, #tpu.memory_space<semaphore_mem>>) src(%arg19 : memref<80xf32, #tpu.memory_space<vmem>>) dst(%dma_wait3A_67 : memref<80xf32, #tpu.memory_space<hbm>>)
      %dma_wait3A_68 = tpu.memref_slice %arg7[%add3A_29] : memref<320000xf32, #tpu.memory_space<hbm>> -> memref<80xf32, #tpu.memory_space<hbm>>
      %dma_wait3A_69 = tpu.memref_slice %arg7[%add3A_29] : memref<320000xf32, #tpu.memory_space<hbm>> -> memref<80xf32, #tpu.memory_space<hbm>>
      tpu.wait_dma2 semaphore(%arg23 : memref<!tpu.dma_semaphore, #tpu.memory_space<semaphore_mem>>) src(%arg20 : memref<80xf32, #tpu.memory_space<vmem>>) dst(%dma_wait3A_69 : memref<80xf32, #tpu.memory_space<hbm>>)
    }
    %scan3A_11 = arith.constant 62 : i32
    %add3A_12 = arith.constant 9920 : i32
    %add3A_13 = arith.addi %mul3A_6, %add3A_12 : i32
    "tpu.region"() ({
      %run_scoped3A_20 = tpu.sem_alloc : memref<!tpu.dma_semaphore, #tpu.memory_space<semaphore_mem>>
      %dma_start3A = tpu.memref_slice %arg4[%add3A_13] : memref<320000xi32, #tpu.memory_space<hbm>> -> memref<80xi32, #tpu.memory_space<hbm>>
      %dma_start3A_21 = tpu.memref_slice %arg4[%add3A_13] : memref<320000xi32, #tpu.memory_space<hbm>> -> memref<80xi32, #tpu.memory_space<hbm>>
      tpu.enqueue_dma source(%dma_start3A_21 : memref<80xi32, #tpu.memory_space<hbm>>) target(%arg13 : memref<80xi32, #tpu.memory_space<vmem>>) target_semaphore(%run_scoped3A_20 : memref<!tpu.dma_semaphore, #tpu.memory_space<semaphore_mem>>)
      %dma_wait3A = tpu.memref_slice %arg4[%add3A_13] : memref<320000xi32, #tpu.memory_space<hbm>> -> memref<80xi32, #tpu.memory_space<hbm>>
      %dma_wait3A_22 = tpu.memref_slice %arg4[%add3A_13] : memref<320000xi32, #tpu.memory_space<hbm>> -> memref<80xi32, #tpu.memory_space<hbm>>
      tpu.wait_dma2 semaphore(%run_scoped3A_20 : memref<!tpu.dma_semaphore, #tpu.memory_space<semaphore_mem>>) src(%dma_wait3A_22 : memref<80xi32, #tpu.memory_space<hbm>>) dst(%arg13 : memref<80xi32, #tpu.memory_space<vmem>>)
      tpu.yield
    }) : () -> ()
    "tpu.region"() ({
      %run_scoped3A_20 = tpu.sem_alloc : memref<!tpu.dma_semaphore, #tpu.memory_space<semaphore_mem>>
      %dma_start3A = tpu.memref_slice %arg5[%add3A_13] : memref<320000xi32, #tpu.memory_space<hbm>> -> memref<80xi32, #tpu.memory_space<hbm>>
      %dma_start3A_21 = tpu.memref_slice %arg5[%add3A_13] : memref<320000xi32, #tpu.memory_space<hbm>> -> memref<80xi32, #tpu.memory_space<hbm>>
      tpu.enqueue_dma source(%dma_start3A_21 : memref<80xi32, #tpu.memory_space<hbm>>) target(%arg14 : memref<80xi32, #tpu.memory_space<vmem>>) target_semaphore(%run_scoped3A_20 : memref<!tpu.dma_semaphore, #tpu.memory_space<semaphore_mem>>)
      %dma_wait3A = tpu.memref_slice %arg5[%add3A_13] : memref<320000xi32, #tpu.memory_space<hbm>> -> memref<80xi32, #tpu.memory_space<hbm>>
      %dma_wait3A_22 = tpu.memref_slice %arg5[%add3A_13] : memref<320000xi32, #tpu.memory_space<hbm>> -> memref<80xi32, #tpu.memory_space<hbm>>
      tpu.wait_dma2 semaphore(%run_scoped3A_20 : memref<!tpu.dma_semaphore, #tpu.memory_space<semaphore_mem>>) src(%dma_wait3A_22 : memref<80xi32, #tpu.memory_space<hbm>>) dst(%arg14 : memref<80xi32, #tpu.memory_space<vmem>>)
      tpu.yield
    }) : () -> ()
    %scan3A_14 = arith.constant 0 : i32
    %scan3A_15 = arith.constant 5 : i32
    %scan3A_16 = arith.addi %scan3A_14, %scan3A_15 : i32
    %scan3A_17 = arith.constant 1 : i32
    scf.for %scan3A_20 = %scan3A_14 to %scan3A_16 step %scan3A_17  : i32 {
      %mul3A_21 = arith.constant 1 : i32
      %mul3A_22 = arith.muli %scan3A_20, %mul3A_21 : i32
      %add3A_23 = arith.constant 0 : i32
      %add3A_24 = arith.addi %add3A_23, %mul3A_22 : i32
      %mul3A_25 = arith.constant 16 : i32
      %mul3A_26 = arith.muli %add3A_24, %mul3A_25 : i32
      %get3A = arith.index_cast %mul3A_26 : i32 to index
      %get3A_27 = tpu.vector_load %arg13[%get3A] {strides = array<i32>} : memref<80xi32, #tpu.memory_space<vmem>>, vector<16xi32>,
      %mul3A_28 = arith.constant 16 : i32
      %mul3A_29 = arith.muli %add3A_24, %mul3A_28 : i32
      %get3A_30 = arith.index_cast %mul3A_29 : i32 to index
      %get3A_31 = tpu.vector_load %arg14[%get3A_30] {strides = array<i32>} : memref<80xi32, #tpu.memory_space<vmem>>, vector<16xi32>,
      %gather3A = tpu.vector_load_idx %arg9[%get3A_27] : memref<10240xf32, #tpu.memory_space<vmem>>[vector<16xi32>], vector<16xf32>,
      %gather3A_32 = tpu.vector_load_idx %arg10[%get3A_31] : memref<10240xf32, #tpu.memory_space<vmem>>[vector<16xi32>], vector<16xf32>,
      %add3A_33 = arith.addf %gather3A, %gather3A_32 : vector<16xf32>
      %neg3A = arith.constant 0.000000e+00 : f32
      %neg3A_34 = vector.broadcast %neg3A : f32 to vector<16xf32>
      %neg3A_35 = arith.subf %neg3A_34, %add3A_33 : vector<16xf32>
      %exp3A = math.exp %neg3A_35 : vector<16xf32>
      %add3A_36 = arith.constant 1.000000e+00 : f32
      %add3A_37 = vector.broadcast %add3A_36 : f32 to vector<16xf32>
      %add3A_38 = arith.addf %add3A_37, %exp3A : vector<16xf32>
      %div3A = arith.constant 1.000000e+00 : f32
      %div3A_39 = vector.broadcast %div3A : f32 to vector<16xf32>
      %div3A_40 = arith.divf %div3A_39, %add3A_38 : vector<16xf32>
      %sub3A = arith.constant 1.000000e+00 : f32
      %sub3A_41 = vector.broadcast %sub3A : f32 to vector<16xf32>
      %sub3A_42 = arith.subf %sub3A_41, %div3A_40 : vector<16xf32>
      %mul3A_43 = arith.constant 16 : i32
      %mul3A_44 = arith.muli %add3A_24, %mul3A_43 : i32
      %swap3A = arith.index_cast %mul3A_44 : i32 to index
      %swap3A_45 = tpu.vector_load %arg17[%swap3A] {strides = array<i32>} : memref<80xf32, #tpu.memory_space<vmem>>, vector<16xf32>,
      tpu.vector_store %arg17[%swap3A], %div3A_40 {strides = array<i32>} : memref<80xf32, #tpu.memory_space<vmem>>, vector<16xf32>,
      %mul3A_46 = arith.constant 16 : i32
      %mul3A_47 = arith.muli %add3A_24, %mul3A_46 : i32
      %swap3A_48 = arith.index_cast %mul3A_47 : i32 to index
      %swap3A_49 = tpu.vector_load %arg18[%swap3A_48] {strides = array<i32>} : memref<80xf32, #tpu.memory_space<vmem>>, vector<16xf32>,
      tpu.vector_store %arg18[%swap3A_48], %sub3A_42 {strides = array<i32>} : memref<80xf32, #tpu.memory_space<vmem>>, vector<16xf32>,
      tpu.vector_store_idx %arg11[%get3A_27], %div3A_40 {add = true} : memref<10240xf32, #tpu.memory_space<vmem>>[vector<16xi32>], vector<16xf32>,
      tpu.vector_store_idx %arg12[%get3A_27], %sub3A_42 {add = true} : memref<10240xf32, #tpu.memory_space<vmem>>[vector<16xi32>], vector<16xf32>,
    }
    %scan3A_18 = arith.constant 5 : i32
    "tpu.region"() ({
      %run_scoped3A_20 = tpu.sem_alloc : memref<!tpu.dma_semaphore, #tpu.memory_space<semaphore_mem>>
      %dma_start3A = tpu.memref_slice %arg6[%add3A_13] : memref<320000xf32, #tpu.memory_space<hbm>> -> memref<80xf32, #tpu.memory_space<hbm>>
      %dma_start3A_21 = tpu.memref_slice %arg6[%add3A_13] : memref<320000xf32, #tpu.memory_space<hbm>> -> memref<80xf32, #tpu.memory_space<hbm>>
      tpu.enqueue_dma source(%arg17 : memref<80xf32, #tpu.memory_space<vmem>>) target(%dma_start3A_21 : memref<80xf32, #tpu.memory_space<hbm>>) target_semaphore(%run_scoped3A_20 : memref<!tpu.dma_semaphore, #tpu.memory_space<semaphore_mem>>)
      %dma_wait3A = tpu.memref_slice %arg6[%add3A_13] : memref<320000xf32, #tpu.memory_space<hbm>> -> memref<80xf32, #tpu.memory_space<hbm>>
      %dma_wait3A_22 = tpu.memref_slice %arg6[%add3A_13] : memref<320000xf32, #tpu.memory_space<hbm>> -> memref<80xf32, #tpu.memory_space<hbm>>
      tpu.wait_dma2 semaphore(%run_scoped3A_20 : memref<!tpu.dma_semaphore, #tpu.memory_space<semaphore_mem>>) src(%arg17 : memref<80xf32, #tpu.memory_space<vmem>>) dst(%dma_wait3A_22 : memref<80xf32, #tpu.memory_space<hbm>>)
      tpu.yield
    }) : () -> ()
    "tpu.region"() ({
      %run_scoped3A_20 = tpu.sem_alloc : memref<!tpu.dma_semaphore, #tpu.memory_space<semaphore_mem>>
      %dma_start3A = tpu.memref_slice %arg7[%add3A_13] : memref<320000xf32, #tpu.memory_space<hbm>> -> memref<80xf32, #tpu.memory_space<hbm>>
      %dma_start3A_21 = tpu.memref_slice %arg7[%add3A_13] : memref<320000xf32, #tpu.memory_space<hbm>> -> memref<80xf32, #tpu.memory_space<hbm>>
      tpu.enqueue_dma source(%arg18 : memref<80xf32, #tpu.memory_space<vmem>>) target(%dma_start3A_21 : memref<80xf32, #tpu.memory_space<hbm>>) target_semaphore(%run_scoped3A_20 : memref<!tpu.dma_semaphore, #tpu.memory_space<semaphore_mem>>)
      %dma_wait3A = tpu.memref_slice %arg7[%add3A_13] : memref<320000xf32, #tpu.memory_space<hbm>> -> memref<80xf32, #tpu.memory_space<hbm>>
      %dma_wait3A_22 = tpu.memref_slice %arg7[%add3A_13] : memref<320000xf32, #tpu.memory_space<hbm>> -> memref<80xf32, #tpu.memory_space<hbm>>
      tpu.wait_dma2 semaphore(%run_scoped3A_20 : memref<!tpu.dma_semaphore, #tpu.memory_space<semaphore_mem>>) src(%arg18 : memref<80xf32, #tpu.memory_space<vmem>>) dst(%dma_wait3A_22 : memref<80xf32, #tpu.memory_space<hbm>>)
      tpu.yield
    }) : () -> ()
    %run_scoped3A = arith.constant 0 : i32
    "tpu.region"() ({
      %run_scoped3A_20 = tpu.sem_alloc : memref<!tpu.dma_semaphore, #tpu.memory_space<semaphore_mem>>
      %dma_start3A = arith.constant 0 : i32
      %dma_start3A_21 = tpu.memref_slice %arg8[%add3A, %run_scoped3A, %dma_start3A] : memref<32x2x10240xf32, #tpu.memory_space<hbm>> -> memref<1x1x10240xf32, #tpu.memory_space<hbm>>
      %dma_start3A_22 = tpu.memref_squeeze %dma_start3A_21 : memref<1x1x10240xf32, #tpu.memory_space<hbm>> -> memref<10240xf32, #tpu.memory_space<hbm>>
      %dma_start3A_23 = arith.constant 0 : i32
      %dma_start3A_24 = tpu.memref_slice %arg8[%add3A, %run_scoped3A, %dma_start3A_23] : memref<32x2x10240xf32, #tpu.memory_space<hbm>> -> memref<1x1x10240xf32, #tpu.memory_space<hbm>>
      %dma_start3A_25 = tpu.memref_squeeze %dma_start3A_24 : memref<1x1x10240xf32, #tpu.memory_space<hbm>> -> memref<10240xf32, #tpu.memory_space<hbm>>
      tpu.enqueue_dma source(%arg11 : memref<10240xf32, #tpu.memory_space<vmem>>) target(%dma_start3A_25 : memref<10240xf32, #tpu.memory_space<hbm>>) target_semaphore(%run_scoped3A_20 : memref<!tpu.dma_semaphore, #tpu.memory_space<semaphore_mem>>)
      %dma_wait3A = arith.constant 0 : i32
      %dma_wait3A_26 = tpu.memref_slice %arg8[%add3A, %run_scoped3A, %dma_wait3A] : memref<32x2x10240xf32, #tpu.memory_space<hbm>> -> memref<1x1x10240xf32, #tpu.memory_space<hbm>>
      %dma_wait3A_27 = tpu.memref_squeeze %dma_wait3A_26 : memref<1x1x10240xf32, #tpu.memory_space<hbm>> -> memref<10240xf32, #tpu.memory_space<hbm>>
      %dma_wait3A_28 = arith.constant 0 : i32
      %dma_wait3A_29 = tpu.memref_slice %arg8[%add3A, %run_scoped3A, %dma_wait3A_28] : memref<32x2x10240xf32, #tpu.memory_space<hbm>> -> memref<1x1x10240xf32, #tpu.memory_space<hbm>>
      %dma_wait3A_30 = tpu.memref_squeeze %dma_wait3A_29 : memref<1x1x10240xf32, #tpu.memory_space<hbm>> -> memref<10240xf32, #tpu.memory_space<hbm>>
      tpu.wait_dma2 semaphore(%run_scoped3A_20 : memref<!tpu.dma_semaphore, #tpu.memory_space<semaphore_mem>>) src(%arg11 : memref<10240xf32, #tpu.memory_space<vmem>>) dst(%dma_wait3A_30 : memref<10240xf32, #tpu.memory_space<hbm>>)
      tpu.yield
    }) : () -> ()
    %run_scoped3A_19 = arith.constant 1 : i32
    "tpu.region"() ({
      %run_scoped3A_20 = tpu.sem_alloc : memref<!tpu.dma_semaphore, #tpu.memory_space<semaphore_mem>>
      %dma_start3A = arith.constant 0 : i32
      %dma_start3A_21 = tpu.memref_slice %arg8[%add3A, %run_scoped3A_19, %dma_start3A] : memref<32x2x10240xf32, #tpu.memory_space<hbm>> -> memref<1x1x10240xf32, #tpu.memory_space<hbm>>
      %dma_start3A_22 = tpu.memref_squeeze %dma_start3A_21 : memref<1x1x10240xf32, #tpu.memory_space<hbm>> -> memref<10240xf32, #tpu.memory_space<hbm>>
      %dma_start3A_23 = arith.constant 0 : i32
      %dma_start3A_24 = tpu.memref_slice %arg8[%add3A, %run_scoped3A_19, %dma_start3A_23] : memref<32x2x10240xf32, #tpu.memory_space<hbm>> -> memref<1x1x10240xf32, #tpu.memory_space<hbm>>
      %dma_start3A_25 = tpu.memref_squeeze %dma_start3A_24 : memref<1x1x10240xf32, #tpu.memory_space<hbm>> -> memref<10240xf32, #tpu.memory_space<hbm>>
      tpu.enqueue_dma source(%arg12 : memref<10240xf32, #tpu.memory_space<vmem>>) target(%dma_start3A_25 : memref<10240xf32, #tpu.memory_space<hbm>>) target_semaphore(%run_scoped3A_20 : memref<!tpu.dma_semaphore, #tpu.memory_space<semaphore_mem>>)
      %dma_wait3A = arith.constant 0 : i32
      %dma_wait3A_26 = tpu.memref_slice %arg8[%add3A, %run_scoped3A_19, %dma_wait3A] : memref<32x2x10240xf32, #tpu.memory_space<hbm>> -> memref<1x1x10240xf32, #tpu.memory_space<hbm>>
      %dma_wait3A_27 = tpu.memref_squeeze %dma_wait3A_26 : memref<1x1x10240xf32, #tpu.memory_space<hbm>> -> memref<10240xf32, #tpu.memory_space<hbm>>
      %dma_wait3A_28 = arith.constant 0 : i32
      %dma_wait3A_29 = tpu.memref_slice %arg8[%add3A, %run_scoped3A_19, %dma_wait3A_28] : memref<32x2x10240xf32, #tpu.memory_space<hbm>> -> memref<1x1x10240xf32, #tpu.memory_space<hbm>>
      %dma_wait3A_30 = tpu.memref_squeeze %dma_wait3A_29 : memref<1x1x10240xf32, #tpu.memory_space<hbm>> -> memref<10240xf32, #tpu.memory_space<hbm>>
      tpu.wait_dma2 semaphore(%run_scoped3A_20 : memref<!tpu.dma_semaphore, #tpu.memory_space<semaphore_mem>>) src(%arg12 : memref<10240xf32, #tpu.memory_space<vmem>>) dst(%dma_wait3A_30 : memref<10240xf32, #tpu.memory_space<hbm>>)
      tpu.yield
    }) : () -> ()
    return
  }
}

</mosaic_0001>

<sc_bundles>
// kernel: _sc_attn.3.cloned.1.call-start
scs
__scs_entry_jumppad:
0x0: {  	(pc) =	sbr.rel $0x88, $3  }
0x1: {  	(tag) =	ssettag $0x0;
	lr =	simm.s32 $0x1  }
0x2: {  	[smem:$0x3F9D] =	sst lr;
	_ =	strace $0xD0000000  }
0x3: {  	_ = 	snop  }
0x4: {  	_ = 	snop  }
0x5: {  	_ = 	snop  }
0x6: {  	_ = 	snop  }
0x7: {  	_ = 	snop  }
__scs_overlays_trampoline_lowered:
0x8: {  	[smem:$0x3FAC] =	sst s0  }
0x9: {  	[smem:$0x3FAD] =	sst s1  }
0xa: {  	[smem:$0x3FAE] =	sst s2  }
0xb: {  	[smem:$0x3FAF] =	sst s3  }
0xc: {  	[smem:$0x3FB0] =	sst s4  }
0xd: {  	[smem:$0x3FB1] =	sst s5  }
0xe: {  	[smem:$0x3FB2] =	sst s6  }
0xf: {  	[smem:$0x3FB3] =	sst s7  }
0x10: {  	[smem:$0x3FB4] =	sst s8  }
0x11: {  	[smem:$0x3FB5] =	sst s9;
	s0 =	simm.s32 @!p0 $0x0  }
0x12: {  	s1 =	sld [smem:$0x3F9B];
	s0 =	simm.s32 @p0 $0x1  }
0x13: {  	[smem:$0x3FB6] =	sst s0;
	s0 =	simm.s32 @!p1 $0x0  }
0x14: {  	s2 =	sld [smem:$0x3F9A];
	s0 =	simm.s32 @p1 $0x1  }
0x15: {  	[smem:$0x3FB7] =	sst s0;
	s0 =	simm.s32 @!p2 $0x0  }
0x16: {  	s3 =	sld [smem:$0x3FDB];
	s0 =	simm.s32 @p2 $0x1  }
0x17: {  	s4 =	simm.s32 $0x1BF5;
	[smem:$0x3FB9] =	sst s0  }
0x18: {  	s0 =	sld [smem:$0x3F9C];
	_ =	swait.ge [sflag:s4], $0x0  }
0x19: {  	s7 =	sld [smem:$0x3F9D]  }
0x1a: {  	s8 =	sadd.s32 $0xFFFFE003, lr  }
0x1b: {  	s9 =	sadd.s32 $0xFFFFFEF7, lr;
	s5 =	simm.s32 $0xFFFFFFFF;
	p2 =	slt.u32 s8, $0xFFFFF086  }
0x1c: {  	p1 =	slt.u32 s9, $0xF7A;
	s5 =	simm.s32 @!p2 $0x0  }
0x1d: {  	s5 =	simm.s32 @p1 $0x1;
	p0 =	seq.s32 s7, s2  }
0x1e: {  	s7 =	smul.u32 @!p0 $0xF7A, s2;
	p2 =	seq.s32 @!p0 s5, $0x0  }
0x1f: {  	s9 =	smul.u32 $0xF7A, s1;
	s8 =	simm.s32 @!p0 $0x1BF5;
	p2 =	por !p2, p0  }
0x20: {  	[sflag:s8] =	ssyncset.s32 @!p0 $0xFFFFF086;
	s6 =	sadd.s32 @!p0 s3, s7;
	s7 =	simm.s32 @!p0 $0x108  }
0x21: {  	s3 =	sadd.s32 s3, s9;
	s6 =	sadd.s32 @!p0 $0x88, s6;
	s7 =	simm.s32 @p2 $0x1082  }
0x22: {  	[simem:s7], [sflag:s8] =	dma.local @!p0 [hbm:s6], $0xF7A  }
0x23: {  	s9 =	sor.u32 $0xD0000000, s2;
	s6 =	simm.s32 $0x108;
	_ =	swait.ge @!p0 [sflag:s8], $0x0  }
0x24: {  	s3 =	sadd.s32 $0x88, s3;
	s6 =	simm.s32 @!p1 $0x1082;
	[sflag:s4] =	ssyncset.s32 $0xFFFFF086  }
0x25: {  	[simem:s6], [sflag:s4] =	dma.local [hbm:s3], $0xF7A  }
0x26: {  	[smem:$0x3F9D] =	sst s1;
	(tag) =	ssettag s2;
	_ =	strace s9  }
0x27: {  	s1 =	sld [smem:$0x3FAD]  }
0x28: {  	s2 =	sld [smem:$0x3FAE]  }
0x29: {  	s4 =	sld [smem:$0x3FB0]  }
0x2a: {  	p0 =	seq.s32 s5, $0x0;
	s5 =	sld [smem:$0x3FB1]  }
0x2b: {  	s6 =	sld [smem:$0x3FB2]  }
0x2c: {  	s7 =	sld [smem:$0x3FB3]  }
0x2d: {  	s3 =	simm.s32 $0x108;
	s8 =	sld [smem:$0x3FB4]  }
0x2e: {  	s3 =	simm.s32 @!p0 $0x1082;
	s9 =	sld [smem:$0x3FB5]  }
0x2f: {  	lr =	sadd.s32 s0, s3;
	s0 =	sld [smem:$0x3FAC]  }
0x30: {  	s3 =	sld [smem:$0x3FAF]  }
0x31: {  	[smem:$0x3FB8] =	sst s10  }
0x32: {  	s10 =	sld [smem:$0x3FB6];
	_ =	sdelay $0x3  }
0x33: {  	p0 =	seq.s32 s10, $0x1;
	s10 =	sld [smem:$0x3FB8];
	_ =	sdelay $0x3  }
0x34: {  	[smem:$0x3FB8] =	sst s10  }
0x35: {  	s10 =	sld [smem:$0x3FB7];
	_ =	sdelay $0x3  }
0x36: {  	p1 =	seq.s32 s10, $0x1;
	s10 =	sld [smem:$0x3FB8];
	_ =	sdelay $0x3  }
0x37: {  	[smem:$0x3FB8] =	sst s10  }
0x38: {  	s10 =	sld [smem:$0x3FB9]  }
0x39: {  	_ = 	snop;
	(pc) =	sbr.ind lr, $3  }
0x3a: {  	_ = 	snop  }
0x3b: {  	_ = 	snop  }
0x3c: {  	p2 =	seq.s32 s10, $0x1;
	s10 =	sld [smem:$0x3FB8]  }
0x3d: {  	_ =	shalt  }
0x3e: {  	_ =	shalt  }
0x3f: {  	_ =	shalt  }
0x40: {  	_ =	shalt  }
0x41: {  	_ =	shalt  }
0x42: {  	_ =	shalt  }
0x43: {  	_ =	shalt  }
0x44: {  	_ =	shalt  }
0x45: {  	_ =	shalt  }
0x46: {  	_ =	shalt  }
0x47: {  	_ =	shalt  }
0x48: {  	_ =	shalt  }
0x49: {  	_ =	shalt  }
0x4a: {  	_ =	shalt  }
0x4b: {  	_ =	shalt  }
0x4c: {  	_ =	shalt  }
0x4d: {  	_ =	shalt  }
0x4e: {  	_ =	shalt  }
0x4f: {  	_ =	shalt  }
0x50: {  	_ =	shalt  }
0x51: {  	_ =	shalt  }
0x52: {  	_ =	shalt  }
0x53: {  	_ =	shalt  }
0x54: {  	_ =	shalt  }
0x55: {  	_ =	shalt  }
0x56: {  	_ =	shalt  }
0x57: {  	_ =	shalt  }
0x58: {  	_ =	shalt  }
0x59: {  	_ =	shalt  }
0x5a: {  	_ =	shalt  }
0x5b: {  	_ =	shalt  }
0x5c: {  	_ =	shalt  }
0x5d: {  	_ =	shalt  }
0x5e: {  	_ =	shalt  }
0x5f: {  	_ =	shalt  }
0x60: {  	_ =	shalt  }
0x61: {  	_ =	shalt  }
0x62: {  	_ =	shalt  }
0x63: {  	_ =	shalt  }
0x64: {  	_ =	shalt  }
0x65: {  	_ =	shalt  }
0x66: {  	_ =	shalt  }
0x67: {  	_ =	shalt  }
0x68: {  	_ =	shalt  }
0x69: {  	_ =	shalt  }
0x6a: {  	_ =	shalt  }
0x6b: {  	_ =	shalt  }
0x6c: {  	_ =	shalt  }
0x6d: {  	_ =	shalt  }
0x6e: {  	_ =	shalt  }
0x6f: {  	_ =	shalt  }
0x70: {  	_ =	shalt  }
0x71: {  	_ =	shalt  }
0x72: {  	_ =	shalt  }
0x73: {  	_ =	shalt  }
0x74: {  	_ =	shalt  }
0x75: {  	_ =	shalt  }
0x76: {  	_ =	shalt  }
0x77: {  	_ =	shalt  }
0x78: {  	_ =	shalt  }
0x79: {  	_ =	shalt  }
0x7a: {  	_ =	shalt  }
0x7b: {  	_ =	shalt  }
0x7c: {  	_ =	shalt  }
0x7d: {  	_ =	shalt  }
0x7e: {  	_ =	shalt  }
0x7f: {  	_ =	shalt  }
0x80: {  	_ =	shalt  }
0x81: {  	_ =	shalt  }
0x82: {  	_ =	shalt  }
0x83: {  	_ =	shalt  }
0x84: {  	_ =	shalt  }
0x85: {  	_ =	shalt  }
0x86: {  	_ =	shalt  }
0x87: {  	_ =	shalt  }
.Lfunc_end0:
.L_simem_size_0:
called_computation_lowered:
.L_overlay_start_0:
0x88: {  	s2 =	sld [smem:$0x3FD9]  }
0x89: {  	s3 =	sld [smem:$0x3FFE];
	_ =	sdelay $0x1  }
0x8a: {  	s1 =	srdreg.scid  }
0x8b: {  	s0 =	sand.u32 $0x1, s1  }
0x8c: {  	s15 =	sshll.u32 s0, $0xA;
	s2 =	sadd.s32 s3, s2  }
0x8d: {  	s2 =	sadd.s32 s2, s15  }
0x8e: {  	[smem:$0x3FC4] =	sst s2  }
0x8f: {  	_ = 	snop  }
0x90: {  	s2 =	sld [smem:$0x3FC9]  }
0x91: {  	s16 =	sld [smem:$0x3FD0]  }
0x92: {  	s4 =	sld [smem:$0x3FC8]  }
0x93: {  	s5 =	sld [smem:$0x3FC7]  }
0x94: {  	s7 =	simm.s32 $0xA;
	s8 =	simm.s32 $0x10;
	s6 =	sld [smem:$0x3FC6]  }
0x95: {  	[smem:s8], [sflag:s7] =	dma.local [hbm:s16], $0x1  }
0x96: {  	_ =	swait.eq [sflag:s7], $0x1  }
0x97: {  	s17 =	sld [smem:$0x10];
	[sflag:s7] =	ssyncset.done $0x0  }
0x98: {  	s18 =	sld [smem:$0x11];
	[sflag:s7] =	ssyncadd.s32 $0xFFFFFFFF  }
0x99: {  	s19 =	sld [smem:$0x12];
	(tm) =	ssettm $0x1  }
0x9a: {  	s9 =	sld [smem:$0x3FFB];
	_ =	sdelay $0x3  }
0x9b: {  	_ =	strace s9  }
0x9c: {  	s9 =	sld [smem:$0x3FFC];
	_ =	sdelay $0x3  }
0x9d: {  	_ =	strace s9  }
0x9e: {  	s9 =	sld [smem:$0x3FFD];
	_ =	sdelay $0x3  }
0x9f: {  	_ =	strace s9  }
0xa0: {  	_ =	strace $0x8FFFFFFF  }
0xa1: {  	s20 =	sld [smem:$0x3FDB];
	_ =	sdelay $0x1  }
0xa2: {  	s10 =	simm.s32 $_scs_section_size  }
0xa3: {  	s11 =	simm.s32 $_size__tile_overlayer_lowered;
	s12 =	simm.s32 $_tile_overlayer_lowered  }
0xa4: {  	s23 =	simm.s32 $0x1BFF;
	s22 =	sshll.u32 s12, $0x1;
	s9 =	sadd.s32 s10, s20  }
0xa5: {  	s13 =	simm.s32 $0x0;
	s21 =	sshll.u32 s11, $0x1;
	s11 =	sadd.s32 s22, s9  }
0xa6: {  	[timem:s13], [sflag:s23] =	dma.local [hbm:s11], s21  }
0xa7: {  	_ =	swait.ge [sflag:s23], s21  }
0xa8: {  	s10 =	ssub.s32 $0x0, s21;
	[sflag:s23] =	ssyncset.done $0x0  }
0xa9: {  	[sflag:s23] =	ssyncadd.s32 s10;
	_ =	sdelay $0x1  }
0xaa: {  	s24 =	simm.s32 $0x1B8B  }
0xab: {  	_ =	swait.ge [sflag:s24], $0x1  }
0xac: {  	[sflag:s24] =	ssyncset.done $0x0  }
0xad: {  	s25 =	simm.s32 $0x1B8E;
	[sflag:s24] =	ssyncadd.s32 $0xFFFFFFFF  }
0xae: {  	s26 =	simm.s32 $execute0_lowered;
	[smem:$0x3FD2] =	sst s25  }
0xaf: {  	s10 =	sshll.u32 s26, $0x1;
	_ =	strace $0x80000046;
	[dreg:$0x1] =	wrdreg $0xFFFFFFFF  }
0xb0: {  	s28 =	simm.s32 $_size_execute0_lowered;
	s9 =	sadd.s32 s9, s10;
	[dreg:$0x0] =	wrdreg $0x0  }
0xb1: {  	s10 =	sshll.u32 s28, $0x1;
	[dreg:$0x2] =	wrdreg s9  }
0xb2: {  	[dreg:$0x3] =	wrdreg s10  }
0xb3: {  	[dreg:$0x4] =	wrdreg $0xC0  }
0xb4: {  	_ =	task [dreg:s13], $0x5FFFF  }
0xb5: {  	[dreg:$0x1] =	wrdreg $0xFFFFFFFF  }
0xb6: {  	[dreg:$0x0] =	wrdreg $0x60  }
0xb7: {  	[dreg:$0x2] =	wrdreg s2  }
0xb8: {  	[dreg:$0x3] =	wrdreg s4  }
0xb9: {  	[dreg:$0x4] =	wrdreg s5  }
0xba: {  	[dreg:$0x5] =	wrdreg s6  }
0xbb: {  	[dreg:$0x6] =	wrdreg s17  }
0xbc: {  	[dreg:$0x7] =	wrdreg s18  }
0xbd: {  	[dreg:$0x8] =	wrdreg s19  }
0xbe: {  	[dreg:$0x9] =	wrdreg $0x9  }
0xbf: {  	_ =	task.clear_ibuf [dreg:s13], $0xAFFFF;
	_ =	strace $0x90000046  }
0xc0: {  	s29 =	simm.s32 $0x9;
	_ =	strace $0x80000048  }
0xc1: {  	_ =	swait.ge [sflag:s29], $0x1  }
0xc2: {  	[sflag:s29] =	ssyncadd.s32 $0xFFFFFFFF  }
0xc3: {  	_ =	strace $0x90000048  }
0xc4: {  	_ =	sfence  }
0xc5: {  	s30 =	sld [smem:$0x0];
	_ =	sdelay $0x2  }
0xc6: {  	s31 =	sshll.u32 s1, $0xD;
	s1 =	sshrl.u32 s1, $0x2  }
0xc7: {  	s3 =	sand.u32 $0x4000, s31;
	s1 =	sadd.s32 s1, s30  }
0xc8: {  	s0 =	sor.u32 s3, s0;
	s1 =	sshll.u32 s1, $0x11  }
0xc9: {  	s0 =	sor.u32 s1, s0  }
0xca: {  	s0 =	sadd.s32 $0x8F2B, s0  }
0xcb: {  	[sflag:s0] =	ssyncadd.remote.s32 $0x1  }
0xcc: {  	_ =	sfence.sel $0xFFFF  }
0xcd: {  	[dreg:$0x0] =	wrdreg $0xFFFFFFFF;
	(pc) =	sbr.abs _section_cstart, $3  }
0xce: {  	[dreg:$0x1] =	wrdreg $0xFFFFFFFF  }
0xcf: {  	_ =	task.clear_ibuf [dreg:s13], $0x2FFFF;
	_ =	strace $0x9FFFFFFF  }
0xd0: {  	(tm) =	ssettm $0x7FFFFFFF  }
0xd1: {  	_ =	shalt  }
tec
execute0_lowered:
.L_overlay_start_1:
0x0: {  	(tag) =	ssettag $0x1  }
0x1: {  	s0 =	rddreg [dreg:$0x2]  }
0x2: {  	s1 =	rddreg [dreg:$0x3]  }
0x3: {  	s2 =	rddreg [dreg:$0x4]  }
0x4: {  	s3 =	rddreg [dreg:$0x5];
	s4 =	srdreg.scid  }
0x5: {  	s10 =	stileid.u32;
	s5 =	rddreg [dreg:$0x6];
	s19 =	simm.s32 $0x4  }
0x6: {  	s28 =	simm.s32 $0x7800;
	s29 =	simm.s32 $0xA200;
	s30 =	simm.s32 $0xA280  }
0x7: {  	s31 =	simm.s32 $0x2;
	s6 =	sand.u32 $0x1, s4;
	s7 =	sshll.u32 s10, $0x1  }
0x8: {  	s4 =	simm.s32 $0x0;
	s10 =	smul.u32 $0x4E20, s10;
	s7 =	sor.u32 s6, s7  }
0x9: {  	[smem:$0x7FF] =	sst s4;
	s9 =	ssub.s32 $0x2, s6;
	s6 =	smul.u32 $0x2710, s6  }
0xa: {  	s8 =	smul.u32 $0x2710, s7;
	_ =	strace $0x80000047;
	s11 =	sshrl.u32 s9, $0x1  }
0xb: {  	s7 =	smul.u32 $0xA00, s7;
	s11 =	ssub.s32 s9, s11;
	s22 =	sadd.s32 s6, s10  }
0xc: {  	s6 =	simm.s32 $0x0;
	s8 =	sshrl.u32 s8, $0x3;
	s25 =	sshrl.u32 s22, $0x3  }
0xd: {  	s11 =	smax.u32 s11, $0x1;
	s12 =	sadd.s32 $0x4D8, s8;
	s26 =	sadd.s32 s25, s3  }
0xe: {  	s13 =	sadd.s32 s25, s1;
	s8 =	sadd.s32 s0, s12;
	[dreg:$0x8] =	wrdreg s26  }
0xf: {  	s14 =	sadd.s32 s25, s0;
	s20 =	sadd.s32 s1, s12;
	[dreg:$0x9] =	wrdreg s8  }
0x10: {  	s21 =	sadd.s32 s2, s12;
	s23 =	sadd.s32 s3, s12;
	[dreg:$0xa] =	wrdreg s20  }
0x11: {  	s12 =	sadd.s32 s25, s2;
	s25 =	simm.s32 $0x1;
	[dreg:$0xb] =	wrdreg s21  }
0x12: {  	s26 =	simm.s32 $0x5000;
	s8 =	sadd.s32 s5, s7;
	[dreg:$0xc] =	wrdreg s23  }
0x13: {  	s5 =	sadd.s32 $0x50, s22;
	s20 =	simm.s32 $0x2800;
	s21 =	simm.s32 $0xA000  }
0x14: {  	s22 =	simm.s32 $0xA080;
	s24 =	sadd.s32 $0x10, s8;
	s5 =	sshrl.u32 s5, $0x3  }
0x15: {  	s23 =	simm.s32 $0xA100;
	[dreg:$0xd] =	wrdreg s24;
	s15 =	sadd.s32 s5, s3  }
0x16: {  	s16 =	sadd.s32 s5, s2;
	s17 =	sadd.s32 s5, s1;
	s18 =	sadd.s32 s5, s0  }
0x17: {  	s24 =	simm.s32 $0xA180;
	s3 =	simm.s32 $0xA300;
	s2 =	simm.s32 $0xA380  }
0x18: {  	v0 =	vimm.f32 $0.0e+00;
	s0 =	simm.s32 $0x3;
	s1 =	simm.s32 $0x80;
	s5 =	simm.s32 $0x100  }
.LBB2_1:
0x19: {  	s7 =	rddreg [dreg:$0x0]  }
0x1a: {  	[tilespmem:s4], [sflag:$0x4] =	stream.linear.gather [hbm4b:s7+s4], $0x2800, $0x38;
	[tilespmem:$0xA400] =	vst v63  }
0x1b: {  	_ =	swait.ge [sflag:s19], $0x2800  }
0x1c: {  	[sflag:s19] =	ssyncset.done $0x0  }
0x1d: {  	[sflag:s19] =	ssyncadd.s32 $0xFFFFD800  }
0x1e: {  	s10 =	rddreg [dreg:$0x1]  }
0x1f: {  	[tilespmem:s20], [sflag:$0x4] =	stream.linear.gather [hbm4b:s10+s4], $0x2800, $0x38;
	[tilespmem:$0xA400] =	vst v63  }
0x20: {  	_ =	swait.ge [sflag:s19], $0x2800  }
0x21: {  	[sflag:s19] =	ssyncset.done $0x0  }
0x22: {  	s7 =	simm.s32 $0x0;
	[sflag:s19] =	ssyncadd.s32 $0xFFFFD800  }
.LBB2_2:
0x23: {  	p0 =	sne.s32 s7, $0x9FC0  }
.Ltmp0:
0x24: {  	_ = 	snop;
	(pc) =	sbr.rel @p0 .LBB2_2-.Ltmp0, $4  }
0x25: {  	_ = 	snop  }
0x26: {  	s9 =	sshra.s32 s7, $0x2  }
0x27: {  	[tilespmem:s9+$0x5000] =	vst v0  }
0x28: {  	s7 =	sadd.s32 $0x40, s7;
	[tilespmem:s9+$0x7800] =	vst v0  }
0x29: {  	s7 =	simm.s32 $0x0  }
.LBB2_4:
0x2a: {  	s9 =	sadd.s32 s7, s14  }
0x2b: {  	[tilespmem:s21], [sflag:$0x1] =	stream.linear.gather [hbm4b:s9+s4], $0x50, $0x38;
	[tilespmem:$0xA400] =	vst v63  }
0x2c: {  	s10 =	sadd.s32 s7, s13  }
0x2d: {  	[tilespmem:s22], [sflag:$0x1] =	stream.linear.gather [hbm4b:s10+s4], $0x50, $0x38;
	[tilespmem:$0xA400] =	vst v63  }
0x2e: {  	s10 =	sadd.s32 s7, s18  }
0x2f: {  	[tilespmem:s23], [sflag:$0x2] =	stream.linear.gather [hbm4b:s10+s4], $0x50, $0x38;
	[tilespmem:$0xA400] =	vst v63  }
0x30: {  	s10 =	sadd.s32 s7, s17  }
0x31: {  	[tilespmem:s24], [sflag:$0x2] =	stream.linear.gather [hbm4b:s10+s4], $0x50, $0x38;
	[tilespmem:$0xA400] =	vst v63  }
0x32: {  	_ =	swait.ge [sflag:s25], $0x50  }
0x33: {  	[sflag:s25] =	ssyncset.done $0x0  }
0x34: {  	[sflag:s25] =	ssyncadd.s32 $0xFFFFFFB0  }
0x35: {  	_ =	swait.ge [sflag:s25], $0x50  }
0x36: {  	[sflag:s25] =	ssyncset.done $0x0  }
0x37: {  	[sflag:s25] =	ssyncadd.s32 $0xFFFFFFB0  }
0x38: {  	v1 =	vld [tilespmem:$0xA000]  }
0x39: {  	v2 =	vld [tilespmem:$0xA080];
	_ =	sdelay $0x6  }
0x3a: {  	v3 =	vld.idx.msk [tilespmem:v1+s4+$0x0], $0xffff  }
0x3b: {  	v2 =	vld.idx.msk [tilespmem:v2+s20+$0x0], $0xffff;
	_ =	sdelay $0x4  }
0x3c: {  	v2 =	vadd.f32 v2, v3;
	_ =	sdelay $0x1  }
0x3d: {  	v2 =	vsub.f32 $0.0e+00, v2;
	_ =	sdelay $0x1  }
0x3e: {  	v2 =	vmul.f32 $1.442695020e+00, v2;
	_ =	sdelay $0x1  }
0x3f: {  	(erf) = vpow2.f32 v2;
	_ =	sdelay $0x8  }
0x40: {  	v2 =	vpop (erf)  }
0x41: {  	v2 =	vadd.f32 $1.000000000e+00, v2;
	_ =	sdelay $0x1  }
0x42: {  	(erf) = vrcp.f32 v2;
	_ =	sdelay $0x8  }
0x43: {  	v2 =	vpop (erf)  }
0x44: {  	v3 =	vsub.f32 $1.000000000e+00, v2  }
0x45: {  	[tilespmem:$0xA200] =	vst v2  }
0x46: {  	[tilespmem:$0xA280] =	vst v3  }
0x47: {  	[tilespmem:v1+s26+$0x0] =	vst.idx.add.f32.msk $0xffff, v2  }
0x48: {  	[tilespmem:v1+s28+$0x0] =	vst.idx.add.f32.msk $0xffff, v3  }
0x49: {  	v1 =	vld [tilespmem:$0xA010]  }
0x4a: {  	v2 =	vld [tilespmem:$0xA090];
	_ =	sdelay $0x6  }
0x4b: {  	v3 =	vld.idx.msk [tilespmem:v1+s4+$0x0], $0xffff  }
0x4c: {  	v2 =	vld.idx.msk [tilespmem:v2+s20+$0x0], $0xffff;
	_ =	sdelay $0x4  }
0x4d: {  	v2 =	vadd.f32 v2, v3;
	_ =	sdelay $0x1  }
0x4e: {  	v2 =	vsub.f32 $0.0e+00, v2;
	_ =	sdelay $0x1  }
0x4f: {  	v2 =	vmul.f32 $1.442695020e+00, v2;
	_ =	sdelay $0x1  }
0x50: {  	(erf) = vpow2.f32 v2;
	_ =	sdelay $0x8  }
0x51: {  	v2 =	vpop (erf)  }
0x52: {  	v2 =	vadd.f32 $1.000000000e+00, v2;
	_ =	sdelay $0x1  }
0x53: {  	(erf) = vrcp.f32 v2;
	_ =	sdelay $0x8  }
0x54: {  	v2 =	vpop (erf)  }
0x55: {  	v3 =	vsub.f32 $1.000000000e+00, v2  }
0x56: {  	[tilespmem:$0xA210] =	vst v2  }
0x57: {  	[tilespmem:$0xA290] =	vst v3  }
0x58: {  	[tilespmem:v1+s26+$0x0] =	vst.idx.add.f32.msk $0xffff, v2  }
0x59: {  	[tilespmem:v1+s28+$0x0] =	vst.idx.add.f32.msk $0xffff, v3  }
0x5a: {  	v1 =	vld [tilespmem:$0xA020]  }
0x5b: {  	v2 =	vld [tilespmem:$0xA0A0];
	_ =	sdelay $0x6  }
0x5c: {  	v3 =	vld.idx.msk [tilespmem:v1+s4+$0x0], $0xffff  }
0x5d: {  	v2 =	vld.idx.msk [tilespmem:v2+s20+$0x0], $0xffff;
	_ =	sdelay $0x4  }
0x5e: {  	v2 =	vadd.f32 v2, v3;
	_ =	sdelay $0x1  }
0x5f: {  	v2 =	vsub.f32 $0.0e+00, v2;
	_ =	sdelay $0x1  }
0x60: {  	v2 =	vmul.f32 $1.442695020e+00, v2;
	_ =	sdelay $0x1  }
0x61: {  	(erf) = vpow2.f32 v2;
	_ =	sdelay $0x8  }
0x62: {  	v2 =	vpop (erf)  }
0x63: {  	v2 =	vadd.f32 $1.000000000e+00, v2;
	_ =	sdelay $0x1  }
0x64: {  	(erf) = vrcp.f32 v2;
	_ =	sdelay $0x8  }
0x65: {  	v2 =	vpop (erf)  }
0x66: {  	v3 =	vsub.f32 $1.000000000e+00, v2  }
0x67: {  	[tilespmem:$0xA220] =	vst v2  }
0x68: {  	[tilespmem:$0xA2A0] =	vst v3  }
0x69: {  	[tilespmem:v1+s26+$0x0] =	vst.idx.add.f32.msk $0xffff, v2  }
0x6a: {  	[tilespmem:v1+s28+$0x0] =	vst.idx.add.f32.msk $0xffff, v3  }
0x6b: {  	v1 =	vld [tilespmem:$0xA030]  }
0x6c: {  	v2 =	vld [tilespmem:$0xA0B0];
	_ =	sdelay $0x6  }
0x6d: {  	v3 =	vld.idx.msk [tilespmem:v1+s4+$0x0], $0xffff  }
0x6e: {  	v2 =	vld.idx.msk [tilespmem:v2+s20+$0x0], $0xffff;
	_ =	sdelay $0x4  }
0x6f: {  	v2 =	vadd.f32 v2, v3;
	_ =	sdelay $0x1  }
0x70: {  	v2 =	vsub.f32 $0.0e+00, v2;
	_ =	sdelay $0x1  }
0x71: {  	v2 =	vmul.f32 $1.442695020e+00, v2;
	_ =	sdelay $0x1  }
0x72: {  	(erf) = vpow2.f32 v2;
	_ =	sdelay $0x8  }
0x73: {  	v2 =	vpop (erf)  }
0x74: {  	v2 =	vadd.f32 $1.000000000e+00, v2;
	_ =	sdelay $0x1  }
0x75: {  	(erf) = vrcp.f32 v2;
	_ =	sdelay $0x8  }
0x76: {  	v2 =	vpop (erf)  }
0x77: {  	v3 =	vsub.f32 $1.000000000e+00, v2  }
0x78: {  	[tilespmem:$0xA230] =	vst v2  }
0x79: {  	[tilespmem:$0xA2B0] =	vst v3  }
0x7a: {  	[tilespmem:v1+s26+$0x0] =	vst.idx.add.f32.msk $0xffff, v2  }
0x7b: {  	[tilespmem:v1+s28+$0x0] =	vst.idx.add.f32.msk $0xffff, v3  }
0x7c: {  	v1 =	vld [tilespmem:$0xA040]  }
0x7d: {  	v2 =	vld [tilespmem:$0xA0C0];
	_ =	sdelay $0x6  }
0x7e: {  	v3 =	vld.idx.msk [tilespmem:v1+s4+$0x0], $0xffff  }
0x7f: {  	v2 =	vld.idx.msk [tilespmem:v2+s20+$0x0], $0xffff;
	_ =	sdelay $0x4  }
0x80: {  	v2 =	vadd.f32 v2, v3;
	_ =	sdelay $0x1  }
0x81: {  	v2 =	vsub.f32 $0.0e+00, v2;
	_ =	sdelay $0x1  }
0x82: {  	v2 =	vmul.f32 $1.442695020e+00, v2;
	_ =	sdelay $0x1  }
0x83: {  	(erf) = vpow2.f32 v2;
	_ =	sdelay $0x8  }
0x84: {  	v2 =	vpop (erf)  }
0x85: {  	v2 =	vadd.f32 $1.000000000e+00, v2;
	_ =	sdelay $0x1  }
0x86: {  	(erf) = vrcp.f32 v2;
	_ =	sdelay $0x8  }
0x87: {  	v2 =	vpop (erf)  }
0x88: {  	v3 =	vsub.f32 $1.000000000e+00, v2  }
0x89: {  	[tilespmem:$0xA240] =	vst v2  }
0x8a: {  	[tilespmem:$0xA2C0] =	vst v3  }
0x8b: {  	[tilespmem:v1+s26+$0x0] =	vst.idx.add.f32.msk $0xffff, v2  }
0x8c: {  	s10 =	sadd.s32 s7, s12;
	s9 =	rddreg [dreg:$0x8];
	[tilespmem:v1+s28+$0x0] =	vst.idx.add.f32.msk $0xffff, v3  }
0x8d: {  	[hbm4b:s10+s4] =	stream.linear.scatter [tilespmem:s29], [sflag:$0x3], $0x50, $0x38;
	[tilespmem:$0xA400] =	vst v63  }
0x8e: {  	s9 =	sadd.s32 s7, s9  }
0x8f: {  	[hbm4b:s9+s4] =	stream.linear.scatter [tilespmem:s30], [sflag:$0x3], $0x50, $0x38;
	[tilespmem:$0xA400] =	vst v63  }
0x90: {  	_ =	swait.ge [sflag:s31], $0x50  }
0x91: {  	[sflag:s31] =	ssyncset.done $0x0  }
0x92: {  	[sflag:s31] =	ssyncadd.s32 $0xFFFFFFB0  }
0x93: {  	_ =	swait.ge [sflag:s31], $0x50  }
0x94: {  	[sflag:s31] =	ssyncset.done $0x0  }
0x95: {  	[sflag:s31] =	ssyncadd.s32 $0xFFFFFFB0  }
0x96: {  	v1 =	vld [tilespmem:$0xA100]  }
0x97: {  	v2 =	vld [tilespmem:$0xA180];
	_ =	sdelay $0x6  }
0x98: {  	v3 =	vld.idx.msk [tilespmem:v1+s4+$0x0], $0xffff  }
0x99: {  	v2 =	vld.idx.msk [tilespmem:v2+s20+$0x0], $0xffff;
	_ =	sdelay $0x4  }
0x9a: {  	v2 =	vadd.f32 v2, v3;
	_ =	sdelay $0x1  }
0x9b: {  	v2 =	vsub.f32 $0.0e+00, v2;
	_ =	sdelay $0x1  }
0x9c: {  	v2 =	vmul.f32 $1.442695020e+00, v2;
	_ =	sdelay $0x1  }
0x9d: {  	(erf) = vpow2.f32 v2;
	_ =	sdelay $0x8  }
0x9e: {  	v2 =	vpop (erf)  }
0x9f: {  	v2 =	vadd.f32 $1.000000000e+00, v2;
	_ =	sdelay $0x1  }
0xa0: {  	(erf) = vrcp.f32 v2;
	_ =	sdelay $0x8  }
0xa1: {  	v2 =	vpop (erf)  }
0xa2: {  	v3 =	vsub.f32 $1.000000000e+00, v2  }
0xa3: {  	[tilespmem:$0xA300] =	vst v2  }
0xa4: {  	[tilespmem:$0xA380] =	vst v3  }
0xa5: {  	[tilespmem:v1+s26+$0x0] =	vst.idx.add.f32.msk $0xffff, v2  }
0xa6: {  	[tilespmem:v1+s28+$0x0] =	vst.idx.add.f32.msk $0xffff, v3  }
0xa7: {  	v1 =	vld [tilespmem:$0xA110]  }
0xa8: {  	v2 =	vld [tilespmem:$0xA190];
	_ =	sdelay $0x6  }
0xa9: {  	v3 =	vld.idx.msk [tilespmem:v1+s4+$0x0], $0xffff  }
0xaa: {  	v2 =	vld.idx.msk [tilespmem:v2+s20+$0x0], $0xffff;
	_ =	sdelay $0x4  }
0xab: {  	v2 =	vadd.f32 v2, v3;
	_ =	sdelay $0x1  }
0xac: {  	v2 =	vsub.f32 $0.0e+00, v2;
	_ =	sdelay $0x1  }
0xad: {  	v2 =	vmul.f32 $1.442695020e+00, v2;
	_ =	sdelay $0x1  }
0xae: {  	(erf) = vpow2.f32 v2;
	_ =	sdelay $0x8  }
0xaf: {  	v2 =	vpop (erf)  }
0xb0: {  	v2 =	vadd.f32 $1.000000000e+00, v2;
	_ =	sdelay $0x1  }
0xb1: {  	(erf) = vrcp.f32 v2;
	_ =	sdelay $0x8  }
0xb2: {  	v2 =	vpop (erf)  }
0xb3: {  	v3 =	vsub.f32 $1.000000000e+00, v2  }
0xb4: {  	[tilespmem:$0xA310] =	vst v2  }
0xb5: {  	[tilespmem:$0xA390] =	vst v3  }
0xb6: {  	[tilespmem:v1+s26+$0x0] =	vst.idx.add.f32.msk $0xffff, v2  }
0xb7: {  	[tilespmem:v1+s28+$0x0] =	vst.idx.add.f32.msk $0xffff, v3  }
0xb8: {  	v1 =	vld [tilespmem:$0xA120]  }
0xb9: {  	v2 =	vld [tilespmem:$0xA1A0];
	_ =	sdelay $0x6  }
0xba: {  	v3 =	vld.idx.msk [tilespmem:v1+s4+$0x0], $0xffff  }
0xbb: {  	v2 =	vld.idx.msk [tilespmem:v2+s20+$0x0], $0xffff;
	_ =	sdelay $0x4  }
0xbc: {  	v2 =	vadd.f32 v2, v3;
	_ =	sdelay $0x1  }
0xbd: {  	v2 =	vsub.f32 $0.0e+00, v2;
	_ =	sdelay $0x1  }
0xbe: {  	v2 =	vmul.f32 $1.442695020e+00, v2;
	_ =	sdelay $0x1  }
0xbf: {  	(erf) = vpow2.f32 v2;
	_ =	sdelay $0x8  }
0xc0: {  	v2 =	vpop (erf)  }
0xc1: {  	v2 =	vadd.f32 $1.000000000e+00, v2;
	_ =	sdelay $0x1  }
0xc2: {  	(erf) = vrcp.f32 v2;
	_ =	sdelay $0x8  }
0xc3: {  	v2 =	vpop (erf)  }
0xc4: {  	v3 =	vsub.f32 $1.000000000e+00, v2  }
0xc5: {  	[tilespmem:$0xA320] =	vst v2  }
0xc6: {  	[tilespmem:$0xA3A0] =	vst v3  }
0xc7: {  	[tilespmem:v1+s26+$0x0] =	vst.idx.add.f32.msk $0xffff, v2  }
0xc8: {  	[tilespmem:v1+s28+$0x0] =	vst.idx.add.f32.msk $0xffff, v3  }
0xc9: {  	v1 =	vld [tilespmem:$0xA130]  }
0xca: {  	v2 =	vld [tilespmem:$0xA1B0];
	_ =	sdelay $0x6  }
0xcb: {  	v3 =	vld.idx.msk [tilespmem:v1+s4+$0x0], $0xffff  }
0xcc: {  	v2 =	vld.idx.msk [tilespmem:v2+s20+$0x0], $0xffff;
	_ =	sdelay $0x4  }
0xcd: {  	v2 =	vadd.f32 v2, v3;
	_ =	sdelay $0x1  }
0xce: {  	v2 =	vsub.f32 $0.0e+00, v2;
	_ =	sdelay $0x1  }
0xcf: {  	v2 =	vmul.f32 $1.442695020e+00, v2;
	_ =	sdelay $0x1  }
0xd0: {  	(erf) = vpow2.f32 v2;
	_ =	sdelay $0x8  }
0xd1: {  	v2 =	vpop (erf)  }
0xd2: {  	v2 =	vadd.f32 $1.000000000e+00, v2;
	_ =	sdelay $0x1  }
0xd3: {  	(erf) = vrcp.f32 v2;
	_ =	sdelay $0x8  }
0xd4: {  	v2 =	vpop (erf)  }
0xd5: {  	v3 =	vsub.f32 $1.000000000e+00, v2  }
0xd6: {  	[tilespmem:$0xA330] =	vst v2  }
0xd7: {  	[tilespmem:$0xA3B0] =	vst v3  }
0xd8: {  	[tilespmem:v1+s26+$0x0] =	vst.idx.add.f32.msk $0xffff, v2  }
0xd9: {  	[tilespmem:v1+s28+$0x0] =	vst.idx.add.f32.msk $0xffff, v3  }
0xda: {  	v1 =	vld [tilespmem:$0xA140]  }
0xdb: {  	v2 =	vld [tilespmem:$0xA1C0];
	_ =	sdelay $0x6  }
0xdc: {  	v3 =	vld.idx.msk [tilespmem:v1+s4+$0x0], $0xffff  }
0xdd: {  	v2 =	vld.idx.msk [tilespmem:v2+s20+$0x0], $0xffff;
	_ =	sdelay $0x4  }
0xde: {  	v2 =	vadd.f32 v2, v3;
	_ =	sdelay $0x1  }
0xdf: {  	v2 =	vsub.f32 $0.0e+00, v2;
	_ =	sdelay $0x1  }
0xe0: {  	v2 =	vmul.f32 $1.442695020e+00, v2;
	_ =	sdelay $0x1  }
0xe1: {  	(erf) = vpow2.f32 v2;
	_ =	sdelay $0x8  }
0xe2: {  	v2 =	vpop (erf)  }
0xe3: {  	v2 =	vadd.f32 $1.000000000e+00, v2;
	_ =	sdelay $0x1  }
0xe4: {  	(erf) = vrcp.f32 v2;
	_ =	sdelay $0x8  }
0xe5: {  	v2 =	vpop (erf)  }
0xe6: {  	v3 =	vsub.f32 $1.000000000e+00, v2  }
0xe7: {  	[tilespmem:$0xA340] =	vst v2  }
0xe8: {  	[tilespmem:$0xA3C0] =	vst v3  }
0xe9: {  	[tilespmem:v1+s26+$0x0] =	vst.idx.add.f32.msk $0xffff, v2  }
0xea: {  	s10 =	sadd.s32 s7, s16;
	[tilespmem:v1+s28+$0x0] =	vst.idx.add.f32.msk $0xffff, v3  }
0xeb: {  	[hbm4b:s10+s4] =	stream.linear.scatter [tilespmem:s3], [sflag:$0x3], $0x50, $0x38;
	[tilespmem:$0xA400] =	vst v63  }
0xec: {  	s10 =	sadd.s32 s7, s15  }
0xed: {  	[hbm4b:s10+s4] =	stream.linear.scatter [tilespmem:s2], [sflag:$0x3], $0x50, $0x38;
	[tilespmem:$0xA400] =	vst v63  }
0xee: {  	_ =	swait.ge [sflag:s0], $0x50  }
0xef: {  	[sflag:s0] =	ssyncset.done $0x0  }
0xf0: {  	[sflag:s0] =	ssyncadd.s32 $0xFFFFFFB0  }
0xf1: {  	_ =	swait.ge [sflag:s0], $0x50  }
0xf2: {  	[sflag:s0] =	ssyncset.done $0x0  }
0xf3: {  	[sflag:s0] =	ssyncadd.s32 $0xFFFFFFB0  }
0xf4: {  	p0 =	sne.s32 s7, $0x4C4;
	_ =	swait.ge [sflag:s0], $0x50  }
.Ltmp1:
0xf5: {  	[sflag:s0] =	ssyncset.done $0x0;
	(pc) =	sbr.rel @p0 .LBB2_4-.Ltmp1, $4  }
0xf6: {  	[sflag:s0] =	ssyncadd.s32 $0xFFFFFFB0  }
0xf7: {  	_ =	swait.ge [sflag:s0], $0x50  }
0xf8: {  	[sflag:s0] =	ssyncset.done $0x0  }
0xf9: {  	s7 =	sadd.s32 $0x14, s7;
	[sflag:s0] =	ssyncadd.s32 $0xFFFFFFB0  }
0xfa: {  	s7 =	rddreg [dreg:$0x9]  }
0xfb: {  	[tilespmem:s21], [sflag:$0x4] =	stream.linear.gather [hbm4b:s7+s4], $0x50, $0x38;
	[tilespmem:$0xA400] =	vst v63  }
0xfc: {  	_ =	swait.ge [sflag:s19], $0x50  }
0xfd: {  	[sflag:s19] =	ssyncset.done $0x0  }
0xfe: {  	s9 =	rddreg [dreg:$0xa];
	[sflag:s19] =	ssyncadd.s32 $0xFFFFFFB0  }
0xff: {  	[tilespmem:s22], [sflag:$0x4] =	stream.linear.gather [hbm4b:s9+s4], $0x50, $0x38;
	[tilespmem:$0xA400] =	vst v63  }
0x100: {  	_ =	swait.ge [sflag:s19], $0x50  }
0x101: {  	[sflag:s19] =	ssyncset.done $0x0  }
0x102: {  	[sflag:s19] =	ssyncadd.s32 $0xFFFFFFB0  }
0x103: {  	v1 =	vld [tilespmem:$0xA000]  }
0x104: {  	v2 =	vld [tilespmem:$0xA080];
	_ =	sdelay $0x6  }
0x105: {  	v3 =	vld.idx.msk [tilespmem:v1+s4+$0x0], $0xffff  }
0x106: {  	v2 =	vld.idx.msk [tilespmem:v2+s20+$0x0], $0xffff;
	_ =	sdelay $0x4  }
0x107: {  	v2 =	vadd.f32 v2, v3;
	_ =	sdelay $0x1  }
0x108: {  	v2 =	vsub.f32 $0.0e+00, v2;
	_ =	sdelay $0x1  }
0x109: {  	v2 =	vmul.f32 $1.442695020e+00, v2;
	_ =	sdelay $0x1  }
0x10a: {  	(erf) = vpow2.f32 v2;
	_ =	sdelay $0x8  }
0x10b: {  	v2 =	vpop (erf)  }
0x10c: {  	v2 =	vadd.f32 $1.000000000e+00, v2;
	_ =	sdelay $0x1  }
0x10d: {  	(erf) = vrcp.f32 v2;
	_ =	sdelay $0x8  }
0x10e: {  	v2 =	vpop (erf)  }
0x10f: {  	v3 =	vsub.f32 $1.000000000e+00, v2  }
0x110: {  	[tilespmem:$0xA200] =	vst v2  }
0x111: {  	[tilespmem:$0xA280] =	vst v3  }
0x112: {  	[tilespmem:v1+s26+$0x0] =	vst.idx.add.f32.msk $0xffff, v2  }
0x113: {  	[tilespmem:v1+s28+$0x0] =	vst.idx.add.f32.msk $0xffff, v3  }
0x114: {  	v1 =	vld [tilespmem:$0xA010]  }
0x115: {  	v2 =	vld [tilespmem:$0xA090];
	_ =	sdelay $0x6  }
0x116: {  	v3 =	vld.idx.msk [tilespmem:v1+s4+$0x0], $0xffff  }
0x117: {  	v2 =	vld.idx.msk [tilespmem:v2+s20+$0x0], $0xffff;
	_ =	sdelay $0x4  }
0x118: {  	v2 =	vadd.f32 v2, v3;
	_ =	sdelay $0x1  }
0x119: {  	v2 =	vsub.f32 $0.0e+00, v2;
	_ =	sdelay $0x1  }
0x11a: {  	v2 =	vmul.f32 $1.442695020e+00, v2;
	_ =	sdelay $0x1  }
0x11b: {  	(erf) = vpow2.f32 v2;
	_ =	sdelay $0x8  }
0x11c: {  	v2 =	vpop (erf)  }
0x11d: {  	v2 =	vadd.f32 $1.000000000e+00, v2;
	_ =	sdelay $0x1  }
0x11e: {  	(erf) = vrcp.f32 v2;
	_ =	sdelay $0x8  }
0x11f: {  	v2 =	vpop (erf)  }
0x120: {  	v3 =	vsub.f32 $1.000000000e+00, v2  }
0x121: {  	[tilespmem:$0xA210] =	vst v2  }
0x122: {  	[tilespmem:$0xA290] =	vst v3  }
0x123: {  	[tilespmem:v1+s26+$0x0] =	vst.idx.add.f32.msk $0xffff, v2  }
0x124: {  	[tilespmem:v1+s28+$0x0] =	vst.idx.add.f32.msk $0xffff, v3  }
0x125: {  	v1 =	vld [tilespmem:$0xA020]  }
0x126: {  	v2 =	vld [tilespmem:$0xA0A0];
	_ =	sdelay $0x6  }
0x127: {  	v3 =	vld.idx.msk [tilespmem:v1+s4+$0x0], $0xffff  }
0x128: {  	v2 =	vld.idx.msk [tilespmem:v2+s20+$0x0], $0xffff;
	_ =	sdelay $0x4  }
0x129: {  	v2 =	vadd.f32 v2, v3;
	_ =	sdelay $0x1  }
0x12a: {  	v2 =	vsub.f32 $0.0e+00, v2;
	_ =	sdelay $0x1  }
0x12b: {  	v2 =	vmul.f32 $1.442695020e+00, v2;
	_ =	sdelay $0x1  }
0x12c: {  	(erf) = vpow2.f32 v2;
	_ =	sdelay $0x8  }
0x12d: {  	v2 =	vpop (erf)  }
0x12e: {  	v2 =	vadd.f32 $1.000000000e+00, v2;
	_ =	sdelay $0x1  }
0x12f: {  	(erf) = vrcp.f32 v2;
	_ =	sdelay $0x8  }
0x130: {  	v2 =	vpop (erf)  }
0x131: {  	v3 =	vsub.f32 $1.000000000e+00, v2  }
0x132: {  	[tilespmem:$0xA220] =	vst v2  }
0x133: {  	[tilespmem:$0xA2A0] =	vst v3  }
0x134: {  	[tilespmem:v1+s26+$0x0] =	vst.idx.add.f32.msk $0xffff, v2  }
0x135: {  	[tilespmem:v1+s28+$0x0] =	vst.idx.add.f32.msk $0xffff, v3  }
0x136: {  	v1 =	vld [tilespmem:$0xA030]  }
0x137: {  	v2 =	vld [tilespmem:$0xA0B0];
	_ =	sdelay $0x6  }
0x138: {  	v3 =	vld.idx.msk [tilespmem:v1+s4+$0x0], $0xffff  }
0x139: {  	v2 =	vld.idx.msk [tilespmem:v2+s20+$0x0], $0xffff;
	_ =	sdelay $0x4  }
0x13a: {  	v2 =	vadd.f32 v2, v3;
	_ =	sdelay $0x1  }
0x13b: {  	v2 =	vsub.f32 $0.0e+00, v2;
	_ =	sdelay $0x1  }
0x13c: {  	v2 =	vmul.f32 $1.442695020e+00, v2;
	_ =	sdelay $0x1  }
0x13d: {  	(erf) = vpow2.f32 v2;
	_ =	sdelay $0x8  }
0x13e: {  	v2 =	vpop (erf)  }
0x13f: {  	v2 =	vadd.f32 $1.000000000e+00, v2;
	_ =	sdelay $0x1  }
0x140: {  	(erf) = vrcp.f32 v2;
	_ =	sdelay $0x8  }
0x141: {  	v2 =	vpop (erf)  }
0x142: {  	v3 =	vsub.f32 $1.000000000e+00, v2  }
0x143: {  	[tilespmem:$0xA230] =	vst v2  }
0x144: {  	[tilespmem:$0xA2B0] =	vst v3  }
0x145: {  	[tilespmem:v1+s26+$0x0] =	vst.idx.add.f32.msk $0xffff, v2  }
0x146: {  	[tilespmem:v1+s28+$0x0] =	vst.idx.add.f32.msk $0xffff, v3  }
0x147: {  	v1 =	vld [tilespmem:$0xA040]  }
0x148: {  	v2 =	vld [tilespmem:$0xA0C0];
	_ =	sdelay $0x6  }
0x149: {  	v3 =	vld.idx.msk [tilespmem:v1+s4+$0x0], $0xffff  }
0x14a: {  	v2 =	vld.idx.msk [tilespmem:v2+s20+$0x0], $0xffff;
	_ =	sdelay $0x4  }
0x14b: {  	v2 =	vadd.f32 v2, v3;
	_ =	sdelay $0x1  }
0x14c: {  	v2 =	vsub.f32 $0.0e+00, v2;
	_ =	sdelay $0x1  }
0x14d: {  	v2 =	vmul.f32 $1.442695020e+00, v2;
	_ =	sdelay $0x1  }
0x14e: {  	(erf) = vpow2.f32 v2;
	_ =	sdelay $0x8  }
0x14f: {  	v2 =	vpop (erf)  }
0x150: {  	v2 =	vadd.f32 $1.000000000e+00, v2;
	_ =	sdelay $0x1  }
0x151: {  	(erf) = vrcp.f32 v2;
	_ =	sdelay $0x8  }
0x152: {  	v2 =	vpop (erf)  }
0x153: {  	v3 =	vsub.f32 $1.000000000e+00, v2  }
0x154: {  	[tilespmem:$0xA240] =	vst v2  }
0x155: {  	[tilespmem:$0xA2C0] =	vst v3  }
0x156: {  	[tilespmem:v1+s26+$0x0] =	vst.idx.add.f32.msk $0xffff, v2  }
0x157: {  	s10 =	rddreg [dreg:$0xb];
	[tilespmem:v1+s28+$0x0] =	vst.idx.add.f32.msk $0xffff, v3  }
0x158: {  	[hbm4b:s10+s4] =	stream.linear.scatter [tilespmem:s29], [sflag:$0x4], $0x50, $0x38;
	[tilespmem:$0xA400] =	vst v63  }
0x159: {  	_ =	swait.ge [sflag:s19], $0x50  }
0x15a: {  	[sflag:s19] =	ssyncset.done $0x0  }
0x15b: {  	s9 =	rddreg [dreg:$0xc];
	[sflag:s19] =	ssyncadd.s32 $0xFFFFFFB0  }
0x15c: {  	[hbm4b:s9+s4] =	stream.linear.scatter [tilespmem:s30], [sflag:$0x4], $0x50, $0x38;
	[tilespmem:$0xA400] =	vst v63  }
0x15d: {  	_ =	swait.ge [sflag:s19], $0x50  }
0x15e: {  	[sflag:s19] =	ssyncset.done $0x0  }
0x15f: {  	[sflag:s19] =	ssyncadd.s32 $0xFFFFFFB0  }
0x160: {  	[hbm4b:s8+s1] =	stream.strided.scatter [tilespmem:s26], [sflag:$0x4], $0x2800, s5, s1, $0x38;
	[tilespmem:$0xA400] =	vst v63  }
0x161: {  	s6 =	sadd.s32 $0x1, s6;
	_ =	swait.ge [sflag:s19], $0x2800  }
0x162: {  	p0 =	sne.s32 s6, s11;
	[sflag:s19] =	ssyncset.done $0x0  }
.Ltmp2:
0x163: {  	s10 =	rddreg [dreg:$0xd];
	[sflag:s19] =	ssyncadd.s32 $0xFFFFD800;
	(pc) =	sbr.rel @p0 .LBB2_1-.Ltmp2, $4  }
0x164: {  	[hbm4b:s10+s1] =	stream.strided.scatter [tilespmem:s28], [sflag:$0x4], $0x2800, s5, s1, $0x38;
	[tilespmem:$0xA400] =	vst v63  }
0x165: {  	_ =	swait.ge [sflag:s19], $0x2800  }
0x166: {  	[sflag:s19] =	ssyncset.done $0x0  }
0x167: {  	[sflag:s19] =	ssyncadd.s32 $0xFFFFD800  }
0x168: {  	_ =	sfence.sel $0x180000  }
0x169: {  	[bflag:$0x0] =	sbarrier.arrive $0xFFFF  }
0x16a: {  	_ =	strace $0x90000047  }
0x16b: {  	s0 =	stileid.u32;
	[bflag:$0x2] =	sbarrier.arrive $0xFFFF  }
0x16c: {  	p0 =	sne.s32 s0, $0x0;
	s0 =	rddreg [dreg:$0x7]  }
0x16d: {  	s0 =	sadd.s32 @!p0 $0x100000, s0  }
0x16e: {  	[sflag:s0] =	ssyncadd.tile.s32 @!p0 $0x1;
	_ =	shalt  }
.Lfunc_end2:
_tile_overlayer_lowered:
.L_overlay_start_2:
0x16f: {  	(tag) =	ssettag $0x2  }
0x170: {  	s0 =	rddreg [dreg:$0x0];
	s2 =	stileid.u32  }
0x171: {  	s1 =	rddreg [dreg:$0x1];
	p0 =	sne.s32 s2, $0x0  }
0x172: {  	s3 =	rddreg [dreg:$0x2];
	[bflag:$0x3] =	sbarrier.arrive $0xFFFF;
	s2 =	simm.s32 @!p0 $0x1C04  }
0x173: {  	[timem:s3], [sflag:s2] =	dma.local @!p0 [hbm:s0], s1  }
0x174: {  	s0 =	simm.s32 @!p0 $0x4  }
0x175: {  	_ =	swait.ge @!p0 [sflag:s0], s1  }
0x176: {  	s1 =	ssub.s32 @!p0 $0x0, s1;
	[sflag:s0] =	ssyncset.done @!p0 $0x0  }
0x177: {  	[sflag:s0] =	ssyncadd.s32 @!p0 s1  }
0x178: {  	[bflag:$0x3] =	sbarrier.arrive $0xFFFF  }
0x179: {  	_ =	shalt  }

</sc_bundles>
